<compile_context>
chip_gen: v7x
topology: tpu7x:2x2x1
jax: 0.10.2.dev20260603
libtpu: 0.0.44.dev20260713+nightly
codegen_flags: <defaults>
</compile_context>

<pallas_src>
import functools

import jax
import jax.numpy as jnp
from jax import lax
from jax.experimental import pallas as pl
from jax.experimental.pallas import tpu as pltpu
from jax.experimental.pallas import tpu_sc as plsc

N = 16384
M = 4096
C = 64
B = 4
MID = 16
SEG = N // B

ROWS = 1024
NTILE = N // ROWS


def _argmin_body(hc_ref, lct_ref, out_ref):
    hc = hc_ref[...]
    lct = lct_ref[...]
    ln = jnp.sum(lct * lct, axis=0, keepdims=True)
    ri = lax.broadcasted_iota(jnp.int32, (4, M), 0)
    aug = jnp.where(ri == 3, ln, -2.0 * lct)
    hc_aug = jnp.concatenate(
        [hc, jnp.ones((ROWS, 1), jnp.float32)], axis=1)
    w = jnp.dot(hc_aug, aug, preferred_element_type=jnp.float32)
    idx = jnp.argmin(w, axis=1).astype(jnp.int32)
    out_ref[...] = idx.reshape(ROWS // 512, 4, 128)


def _nn_indices(hc3, lct):
    wpt = ROWS // 512
    return pl.pallas_call(
        _argmin_body,
        grid=(NTILE,),
        in_specs=[
            pl.BlockSpec((ROWS, 3), lambda t: (t, 0)),
            pl.BlockSpec((4, M), lambda t: (0, 0)),
        ],
        out_specs=pl.BlockSpec((wpt, 4, 128), lambda t: (t, 0, 0)),
        out_shape=jax.ShapeDtypeStruct((NW, KSUB, 128), jnp.int32),
    )(hc3, lct)


_NC = 2
_NS = 16
NW = _NC * _NS
CHUNK = N // NW
KSUB = CHUNK // 128
NWT = NW


@functools.cache
def _sc_gather_sum_call():
    @functools.partial(
        pl.kernel,
        mesh=plsc.VectorSubcoreMesh(core_axis_name="c",
                                    subcore_axis_name="s"),
        out_type=jax.ShapeDtypeStruct((NW, C), jnp.float32),
        scratch_types=[
            pltpu.VMEM((KSUB, 128), jnp.int32),
            pltpu.VMEM((KSUB, 128, C), jnp.float32),
            pltpu.VMEM((C,), jnp.float32),
            pltpu.SemaphoreType.DMA,
        ],
        compiler_params=pltpu.CompilerParams(use_tc_tiling_on_sc=False),
    )
    def _sc_gather_sum(idx_hbm, lrf_hbm, out_hbm, idx_v, rows_v, acc_v, sem):
        wid = lax.axis_index("s") * _NC + lax.axis_index("c")
        pltpu.sync_copy(idx_hbm.at[wid], idx_v)
        copies = [
            pltpu.async_copy(lrf_hbm.at[idx_v.at[k]], rows_v.at[k], sem)
            for k in range(KSUB)
        ]

        zeros8 = tuple(jnp.zeros((16,), jnp.float32) for _ in range(8))

        def sum_chunk(k, accs):
            def inner(r, a):
                ev = tuple(
                    a[c] + rows_v[k, 2 * r, pl.ds(c * 16, 16)]
                    for c in range(4)
                )
                od = tuple(
                    a[4 + c] + rows_v[k, 2 * r + 1, pl.ds(c * 16, 16)]
                    for c in range(4)
                )
                return ev + od
            return lax.fori_loop(0, 64, inner, accs)

        accs = zeros8
        for k in range(KSUB):
            copies[k].wait()
            accs = sum_chunk(k, accs)
        for c in range(4):
            acc_v[pl.ds(c * 16, 16)] = accs[c] + accs[4 + c]
        pltpu.sync_copy(acc_v, out_hbm.at[wid])

    return _sc_gather_sum


FROWS = 4096
FT = N // FROWS
TPB = SEG // FROWS


def _fusion_body(hrf_ref, hcp_ref, part_ref, ca_w1_ref, ca_b1_ref,
                 ca_w2_ref, ca_b2_ref, sa_w1f_ref, sa_w1c_ref, sa_b1_ref,
                 sa_w2t_ref, sa_b2_ref, fma_ref, fmb_ref, fm_b_ref,
                 gam_ref, bet_ref, out_ref, y_s, acc_s, cw_s):
    p = pl.program_id(0)
    t = pl.program_id(1)

    @pl.when(jnp.logical_and(p == 0, t == 0))
    def _init():
        acc_s[...] = jnp.zeros_like(acc_s)
        wi = lax.broadcasted_iota(jnp.int32, (B, NWT), 1) // (NWT // B)
        bi = lax.broadcasted_iota(jnp.int32, (B, NWT), 0)
        sel = (wi == bi).astype(jnp.float32)
        gf = jnp.dot(sel, part_ref[...],
                     preferred_element_type=jnp.float32) * (1.0 / SEG)
        h = jnp.maximum(
            jnp.dot(gf, ca_w1_ref[...],
                    preferred_element_type=jnp.float32) + ca_b1_ref[...], 0.0)
        cwl = jnp.dot(h, ca_w2_ref[...],
                      preferred_element_type=jnp.float32) + ca_b2_ref[...]
        cw = 1.0 / (1.0 + jnp.exp(-cwl))
        cw_s[0:C, 0:B] = cw.T

    @pl.when(p == 0)
    def _compute():
        hrf = hrf_ref[...]
        b = t // TPB
        bmask = (lax.broadcasted_iota(jnp.int32, (1, B), 1) == b)
        cw_col = jnp.sum(jnp.where(bmask, cw_s[0:C, 0:B], 0.0), axis=1,
                         keepdims=True)
        w1b = cw_col * sa_w1f_ref[...]
        fmb_b = cw_col * fmb_ref[...]
        s = jnp.dot(hrf, w1b, preferred_element_type=jnp.float32)
        s = s + jnp.dot(hcp_ref[...], sa_w1c_ref[...],
                        preferred_element_type=jnp.float32)
        s = jnp.maximum(s + sa_b1_ref[...], 0.0)
        swl = jnp.dot(s, sa_w2t_ref[...],
                      preferred_element_type=jnp.float32) + sa_b2_ref[...]
        sw = 1.0 / (1.0 + jnp.exp(-swl))
        y = jnp.dot(hrf, fma_ref[...], preferred_element_type=jnp.float32)
        y = y + sw * jnp.dot(hrf, fmb_b,
                             preferred_element_type=jnp.float32)
        y = y + fm_b_ref[...]
        y_s[pl.ds(t * FROWS, FROWS), :] = y
        ones_row = jnp.ones((1, FROWS), jnp.float32)
        acc_s[0:1, :] += jnp.dot(ones_row, y,
                                 preferred_element_type=jnp.float32)
        acc_s[1:2, :] += jnp.dot(ones_row, y * y,
                                 preferred_element_type=jnp.float32)

    @pl.when(p == 1)
    def _normalize():
        mean = acc_s[0:1, :] * (1.0 / N)
        var = acc_s[1:2, :] * (1.0 / N) - mean * mean
        inv = lax.rsqrt(var + 1e-5)
        yt = y_s[pl.ds(t * FROWS, FROWS), :]
        z = (yt - mean) * inv * gam_ref[...] + bet_ref[...]
        out_ref[...] = jnp.maximum(z, 0.0)


def _fusion(hrf, hcp, partials, ca_w1, ca_b1, ca_w2, ca_b2,
            sa_w1f, sa_w1c, sa_b1, sa_w2t, sa_b2, fma, fmb, fm_b,
            gamma, beta):
    tile_p0 = lambda t_block: pl.BlockSpec(t_block,
                                           lambda p, t: ((1 - p) * t, 0))
    tile_p1 = lambda t_block: pl.BlockSpec(t_block, lambda p, t: (p * t, 0))
    full = lambda shp: pl.BlockSpec(shp, lambda p, t: (0, 0))
    return pl.pallas_call(
        _fusion_body,
        grid=(2, FT),
        in_specs=[
            tile_p0((FROWS, C)),
            tile_p0((FROWS, 3)),
            full((NWT, C)),
            full((C, MID)), full((1, MID)),
            full((MID, C)), full((1, C)),
            full((C, C)), full((3, C)), full((1, C)),
            full((C, 1)), full((1, 1)),
            full((C, C)), full((C, C)), full((1, C)),
            full((1, C)), full((1, C)),
        ],
        out_specs=tile_p1((FROWS, C)),
        out_shape=jax.ShapeDtypeStruct((N, C), jnp.float32),
        scratch_shapes=[
            pltpu.VMEM((N, C), jnp.float32),
            pltpu.VMEM((2, C), jnp.float32),
            pltpu.VMEM((C, 8), jnp.float32),
        ],
    )(hrf, hcp, partials, ca_w1, ca_b1, ca_w2, ca_b2,
      sa_w1f, sa_w1c, sa_b1, sa_w2t, sa_b2, fma, fmb, fm_b, gamma, beta)


def kernel(high_res_feat, high_res_coord, low_res_feat, low_res_coord,
           high_res_offset, ca_w1, ca_b1, ca_w2, ca_b2,
           sa_w1, sa_b1, sa_w2, sa_b2, fm_w, fm_b, bn_gamma, bn_beta):
    lct = jnp.pad(low_res_coord, ((0, 0), (0, 1))).T
    idx = _nn_indices(high_res_coord, lct)
    partials = _sc_gather_sum_call()(idx, low_res_feat)

    sa_w1f = sa_w1[:C]
    sa_w1c = sa_w1[C:]
    return _fusion(
        high_res_feat, high_res_coord, partials,
        ca_w1, ca_b1.reshape(1, MID), ca_w2, ca_b2.reshape(1, C),
        sa_w1f, sa_w1c, sa_b1.reshape(1, C),
        sa_w2, sa_b2.reshape(1, 1),
        fm_w[:C], fm_w[C:], fm_b.reshape(1, C),
        bn_gamma.reshape(1, C), bn_beta.reshape(1, C))

# --- scband reference (transcript-rebuilt; emitter-appended) ---
"""Pipeline reference for scband-point-cfpfusion-module-12807592477405 (READ-ONLY COPY).

The authoritative reference and input builder live on the scoring server;
editing this copy changes nothing except your own understanding.
"""

import jax, jax.numpy as jnp
import numpy as np

N = 16384
M = 4096
C = 64
B = 4
MID = 16  # C // reduction_ratio

def setup_inputs(seed: int = 0) -> dict:
    key = jax.random.key(seed)
    ks = jax.random.split(key, 20)
    inp = {}
    inp['high_res_feat'] = jax.random.normal(ks[0], (N, C), dtype=jnp.float32)
    inp['high_res_coord'] = jax.random.uniform(ks[1], (N, 3), dtype=jnp.float32)
    inp['low_res_feat'] = jax.random.normal(ks[2], (M, C), dtype=jnp.float32)
    inp['low_res_coord'] = jax.random.uniform(ks[3], (M, 3), dtype=jnp.float32)
    inp['high_res_offset'] = jnp.arange(1, B + 1, dtype=jnp.int32) * (N // B)
    # channel_attention: Linear(C, MID) -> ReLU -> Linear(MID, C) -> Sigmoid
    inp['ca_w1'] = jax.random.normal(ks[4], (C, MID), dtype=jnp.float32) / np.sqrt(C)
    inp['ca_b1'] = jnp.zeros((MID,), dtype=jnp.float32)
    inp['ca_w2'] = jax.random.normal(ks[5], (MID, C), dtype=jnp.float32) / np.sqrt(MID)
    inp['ca_b2'] = jnp.zeros((C,), dtype=jnp.float32)
    # spatial_attention: Linear(C+3, C) -> ReLU -> Linear(C, 1) -> Sigmoid
    inp['sa_w1'] = jax.random.normal(ks[6], (C + 3, C), dtype=jnp.float32) / np.sqrt(C + 3)
    inp['sa_b1'] = jnp.zeros((C,), dtype=jnp.float32)
    inp['sa_w2'] = jax.random.normal(ks[7], (C, 1), dtype=jnp.float32) / np.sqrt(C)
    inp['sa_b2'] = jnp.zeros((1,), dtype=jnp.float32)
    # fusion_mlp: Linear(2C, C) -> BatchNorm1d(C) -> ReLU
    inp['fm_w'] = jax.random.normal(ks[8], (2 * C, C), dtype=jnp.float32) / np.sqrt(2 * C)
    inp['fm_b'] = jnp.zeros((C,), dtype=jnp.float32)
    inp['bn_gamma'] = jnp.ones((C,), dtype=jnp.float32)
    inp['bn_beta'] = jnp.zeros((C,), dtype=jnp.float32)
    return inp

def reference(high_res_feat, high_res_coord, low_res_feat, low_res_coord,
              high_res_offset, ca_w1, ca_b1, ca_w2, ca_b2,
              sa_w1, sa_b1, sa_w2, sa_b2, fm_w, fm_b, bn_gamma, bn_beta):
    n = high_res_feat.shape[0]
    b = high_res_offset.shape[0]
    # nearest-neighbor mapping (cdist + argmin); squared distances give same argmin
    hn = jnp.sum(high_res_coord ** 2, axis=1, keepdims=True)
    ln = jnp.sum(low_res_coord ** 2, axis=1)
    d2 = hn + ln[None, :] - 2.0 * (high_res_coord @ low_res_coord.T)
    inverse_indices = jnp.argmin(d2, axis=1)
    low_res_up = jnp.take(low_res_feat, inverse_indices, axis=0)
    # offset2batch: offsets are cumulative end positions
    batch_idx = jnp.searchsorted(high_res_offset, jnp.arange(n, dtype=jnp.int32), side='right')
    # scatter_mean over batch
    sums = jax.ops.segment_sum(low_res_up, batch_idx, num_segments=b)
    counts = jax.ops.segment_sum(jnp.ones((n,), dtype=jnp.float32), batch_idx, num_segments=b)
    global_feat = sums / jnp.maximum(counts, 1.0)[:, None]
    # channel attention
    h = jax.nn.relu(global_feat @ ca_w1 + ca_b1)
    channel_weights = jax.nn.sigmoid(h @ ca_w2 + ca_b2)
    channel_weights = jnp.take(channel_weights, batch_idx, axis=0)
    channel_refined = high_res_feat * channel_weights
    # spatial attention
    feat_with_coord = jnp.concatenate([channel_refined, high_res_coord], axis=1)
    s = jax.nn.relu(feat_with_coord @ sa_w1 + sa_b1)
    spatial_weights = jax.nn.sigmoid(s @ sa_w2 + sa_b2)
    spatial_refined = channel_refined * spatial_weights
    # fusion mlp with training-mode BatchNorm1d
    fused = jnp.concatenate([high_res_feat, spatial_refined], axis=1)
    y = fused @ fm_w + fm_b
    mean = jnp.mean(y, axis=0)
    var = jnp.var(y, axis=0)
    y = (y - mean) / jnp.sqrt(var + 1e-5) * bn_gamma + bn_beta
    return jax.nn.relu(y)

if __name__ == "__main__":
    import jax
    _d = setup_inputs()
    print(jax.jit(kernel)(*tuple(_d.values())))

</pallas_src>

<mosaic_0001>
#map = affine_map<(d0, d1) -> (0, 0, 0)>
#map1 = affine_map<(d0, d1) -> (0, 0)>
module attributes {stable_mosaic.version = 14 : i64} {
  func.func @_sc_gather_sum(%arg0: i32, %arg1: i32, %arg2: memref<32x4x128xi32, #tpu.memory_space<hbm>>, %arg3: memref<4096x64xf32, #tpu.memory_space<hbm>>, %arg4: memref<32x64xf32, #tpu.memory_space<hbm>>, %arg5: memref<4x128xi32, #tpu.memory_space<vmem>>, %arg6: memref<4x128x64xf32, #tpu.memory_space<vmem>>, %arg7: memref<64xf32, #tpu.memory_space<vmem>>, %arg8: memref<!tpu.dma_semaphore, #tpu.memory_space<semaphore_mem>>) attributes {dimension_semantics = [#tpu.dimension_semantics<core_parallel>, #tpu.dimension_semantics<subcore_parallel>], iteration_bounds = array<i64: 2, 16>, scalar_prefetch = 0 : i64, scratch_operands = 4 : i64, tpu.core_type = #tpu.core_type<sc_vector_subcore>, window_params = [{transform_indices = #map}, {transform_indices = #map1}, {transform_indices = #map1}]} {
    %mul3A = arith.constant 2 : i32
    %mul3A_0 = arith.muli %arg1, %mul3A : i32
    %add3A = arith.addi %mul3A_0, %arg0 : i32
    "tpu.region"() ({
      %run_scoped3A = tpu.sem_alloc : memref<!tpu.dma_semaphore, #tpu.memory_space<semaphore_mem>>
      %dma_start3A_152 = arith.constant 0 : i32
      %dma_start3A_153 = arith.constant 0 : i32
      %dma_start3A_154 = tpu.memref_slice %arg2[%add3A, %dma_start3A_152, %dma_start3A_153] : memref<32x4x128xi32, #tpu.memory_space<hbm>> -> memref<1x4x128xi32, #tpu.memory_space<hbm>>
      %dma_start3A_155 = tpu.memref_squeeze %dma_start3A_154 : memref<1x4x128xi32, #tpu.memory_space<hbm>> -> memref<4x128xi32, #tpu.memory_space<hbm>>
      %dma_start3A_156 = arith.constant 0 : i32
      %dma_start3A_157 = arith.constant 0 : i32
      %dma_start3A_158 = tpu.memref_slice %arg2[%add3A, %dma_start3A_156, %dma_start3A_157] : memref<32x4x128xi32, #tpu.memory_space<hbm>> -> memref<1x4x128xi32, #tpu.memory_space<hbm>>
      %dma_start3A_159 = tpu.memref_squeeze %dma_start3A_158 : memref<1x4x128xi32, #tpu.memory_space<hbm>> -> memref<4x128xi32, #tpu.memory_space<hbm>>
      tpu.enqueue_dma source(%dma_start3A_159 : memref<4x128xi32, #tpu.memory_space<hbm>>) target(%arg5 : memref<4x128xi32, #tpu.memory_space<vmem>>) target_semaphore(%run_scoped3A : memref<!tpu.dma_semaphore, #tpu.memory_space<semaphore_mem>>)
      %dma_wait3A_160 = arith.constant 0 : i32
      %dma_wait3A_161 = arith.constant 0 : i32
      %dma_wait3A_162 = tpu.memref_slice %arg2[%add3A, %dma_wait3A_160, %dma_wait3A_161] : memref<32x4x128xi32, #tpu.memory_space<hbm>> -> memref<1x4x128xi32, #tpu.memory_space<hbm>>
      %dma_wait3A_163 = tpu.memref_squeeze %dma_wait3A_162 : memref<1x4x128xi32, #tpu.memory_space<hbm>> -> memref<4x128xi32, #tpu.memory_space<hbm>>
      %dma_wait3A_164 = arith.constant 0 : i32
      %dma_wait3A_165 = arith.constant 0 : i32
      %dma_wait3A_166 = tpu.memref_slice %arg2[%add3A, %dma_wait3A_164, %dma_wait3A_165] : memref<32x4x128xi32, #tpu.memory_space<hbm>> -> memref<1x4x128xi32, #tpu.memory_space<hbm>>
      %dma_wait3A_167 = tpu.memref_squeeze %dma_wait3A_166 : memref<1x4x128xi32, #tpu.memory_space<hbm>> -> memref<4x128xi32, #tpu.memory_space<hbm>>
      tpu.wait_dma2 semaphore(%run_scoped3A : memref<!tpu.dma_semaphore, #tpu.memory_space<semaphore_mem>>) src(%dma_wait3A_167 : memref<4x128xi32, #tpu.memory_space<hbm>>) dst(%arg5 : memref<4x128xi32, #tpu.memory_space<vmem>>)
      tpu.yield
    }) : () -> ()
    %dma_start3A = arith.constant 0 : i32
    %dma_start3A_1 = arith.constant 0 : i32
    %dma_start3A_2 = arith.constant 0 : i32
    %dma_start3A_3 = arith.constant 0 : i32
    %dma_start3A_4 = tpu.memref_slice %arg6[%dma_start3A_1, %dma_start3A_2, %dma_start3A_3] : memref<4x128x64xf32, #tpu.memory_space<vmem>> -> memref<1x128x64xf32, #tpu.memory_space<vmem>>
    %dma_start3A_5 = tpu.memref_squeeze %dma_start3A_4 : memref<1x128x64xf32, #tpu.memory_space<vmem>> -> memref<128x64xf32, #tpu.memory_space<vmem>>
    %dma_start3A_6 = arith.constant 0 : i32
    %dma_start3A_7 = tpu.memref_slice %arg5[%dma_start3A, %dma_start3A_6] : memref<4x128xi32, #tpu.memory_space<vmem>> -> memref<1x128xi32, #tpu.memory_space<vmem>>
    %dma_start3A_8 = tpu.memref_squeeze %dma_start3A_7 : memref<1x128xi32, #tpu.memory_space<vmem>> -> memref<128xi32, #tpu.memory_space<vmem>>
    %dma_start3A_9 = arith.constant 0 : i32
    %dma_start3A_10 = arith.constant 0 : i32
    %dma_start3A_11 = tpu.memref_slice %arg3[%dma_start3A_9, %dma_start3A_10] : memref<4096x64xf32, #tpu.memory_space<hbm>> -> memref<4096x64xf32, #tpu.memory_space<hbm>>
    tpu.enqueue_indirect_dma source(%dma_start3A_11 : memref<4096x64xf32, #tpu.memory_space<hbm>>) target(%dma_start3A_5 : memref<128x64xf32, #tpu.memory_space<vmem>>) offsets(%dma_start3A_8 : memref<128xi32, #tpu.memory_space<vmem>>) semaphore(%arg8 : memref<!tpu.dma_semaphore, #tpu.memory_space<semaphore_mem>>)
    %dma_start3A_12 = arith.constant 1 : i32
    %dma_start3A_13 = arith.constant 1 : i32
    %dma_start3A_14 = arith.constant 0 : i32
    %dma_start3A_15 = arith.constant 0 : i32
    %dma_start3A_16 = tpu.memref_slice %arg6[%dma_start3A_13, %dma_start3A_14, %dma_start3A_15] : memref<4x128x64xf32, #tpu.memory_space<vmem>> -> memref<1x128x64xf32, #tpu.memory_space<vmem>>
    %dma_start3A_17 = tpu.memref_squeeze %dma_start3A_16 : memref<1x128x64xf32, #tpu.memory_space<vmem>> -> memref<128x64xf32, #tpu.memory_space<vmem>>
    %dma_start3A_18 = arith.constant 0 : i32
    %dma_start3A_19 = tpu.memref_slice %arg5[%dma_start3A_12, %dma_start3A_18] : memref<4x128xi32, #tpu.memory_space<vmem>> -> memref<1x128xi32, #tpu.memory_space<vmem>>
    %dma_start3A_20 = tpu.memref_squeeze %dma_start3A_19 : memref<1x128xi32, #tpu.memory_space<vmem>> -> memref<128xi32, #tpu.memory_space<vmem>>
    %dma_start3A_21 = arith.constant 0 : i32
    %dma_start3A_22 = arith.constant 0 : i32
    %dma_start3A_23 = tpu.memref_slice %arg3[%dma_start3A_21, %dma_start3A_22] : memref<4096x64xf32, #tpu.memory_space<hbm>> -> memref<4096x64xf32, #tpu.memory_space<hbm>>
    tpu.enqueue_indirect_dma source(%dma_start3A_23 : memref<4096x64xf32, #tpu.memory_space<hbm>>) target(%dma_start3A_17 : memref<128x64xf32, #tpu.memory_space<vmem>>) offsets(%dma_start3A_20 : memref<128xi32, #tpu.memory_space<vmem>>) semaphore(%arg8 : memref<!tpu.dma_semaphore, #tpu.memory_space<semaphore_mem>>)
    %dma_start3A_24 = arith.constant 2 : i32
    %dma_start3A_25 = arith.constant 2 : i32
    %dma_start3A_26 = arith.constant 0 : i32
    %dma_start3A_27 = arith.constant 0 : i32
    %dma_start3A_28 = tpu.memref_slice %arg6[%dma_start3A_25, %dma_start3A_26, %dma_start3A_27] : memref<4x128x64xf32, #tpu.memory_space<vmem>> -> memref<1x128x64xf32, #tpu.memory_space<vmem>>
    %dma_start3A_29 = tpu.memref_squeeze %dma_start3A_28 : memref<1x128x64xf32, #tpu.memory_space<vmem>> -> memref<128x64xf32, #tpu.memory_space<vmem>>
    %dma_start3A_30 = arith.constant 0 : i32
    %dma_start3A_31 = tpu.memref_slice %arg5[%dma_start3A_24, %dma_start3A_30] : memref<4x128xi32, #tpu.memory_space<vmem>> -> memref<1x128xi32, #tpu.memory_space<vmem>>
    %dma_start3A_32 = tpu.memref_squeeze %dma_start3A_31 : memref<1x128xi32, #tpu.memory_space<vmem>> -> memref<128xi32, #tpu.memory_space<vmem>>
    %dma_start3A_33 = arith.constant 0 : i32
    %dma_start3A_34 = arith.constant 0 : i32
    %dma_start3A_35 = tpu.memref_slice %arg3[%dma_start3A_33, %dma_start3A_34] : memref<4096x64xf32, #tpu.memory_space<hbm>> -> memref<4096x64xf32, #tpu.memory_space<hbm>>
    tpu.enqueue_indirect_dma source(%dma_start3A_35 : memref<4096x64xf32, #tpu.memory_space<hbm>>) target(%dma_start3A_29 : memref<128x64xf32, #tpu.memory_space<vmem>>) offsets(%dma_start3A_32 : memref<128xi32, #tpu.memory_space<vmem>>) semaphore(%arg8 : memref<!tpu.dma_semaphore, #tpu.memory_space<semaphore_mem>>)
    %dma_start3A_36 = arith.constant 3 : i32
    %dma_start3A_37 = arith.constant 3 : i32
    %dma_start3A_38 = arith.constant 0 : i32
    %dma_start3A_39 = arith.constant 0 : i32
    %dma_start3A_40 = tpu.memref_slice %arg6[%dma_start3A_37, %dma_start3A_38, %dma_start3A_39] : memref<4x128x64xf32, #tpu.memory_space<vmem>> -> memref<1x128x64xf32, #tpu.memory_space<vmem>>
    %dma_start3A_41 = tpu.memref_squeeze %dma_start3A_40 : memref<1x128x64xf32, #tpu.memory_space<vmem>> -> memref<128x64xf32, #tpu.memory_space<vmem>>
    %dma_start3A_42 = arith.constant 0 : i32
    %dma_start3A_43 = tpu.memref_slice %arg5[%dma_start3A_36, %dma_start3A_42] : memref<4x128xi32, #tpu.memory_space<vmem>> -> memref<1x128xi32, #tpu.memory_space<vmem>>
    %dma_start3A_44 = tpu.memref_squeeze %dma_start3A_43 : memref<1x128xi32, #tpu.memory_space<vmem>> -> memref<128xi32, #tpu.memory_space<vmem>>
    %dma_start3A_45 = arith.constant 0 : i32
    %dma_start3A_46 = arith.constant 0 : i32
    %dma_start3A_47 = tpu.memref_slice %arg3[%dma_start3A_45, %dma_start3A_46] : memref<4096x64xf32, #tpu.memory_space<hbm>> -> memref<4096x64xf32, #tpu.memory_space<hbm>>
    tpu.enqueue_indirect_dma source(%dma_start3A_47 : memref<4096x64xf32, #tpu.memory_space<hbm>>) target(%dma_start3A_41 : memref<128x64xf32, #tpu.memory_space<vmem>>) offsets(%dma_start3A_44 : memref<128xi32, #tpu.memory_space<vmem>>) semaphore(%arg8 : memref<!tpu.dma_semaphore, #tpu.memory_space<semaphore_mem>>)
    %broadcast_in_dim3A = arith.constant 0.000000e+00 : f32
    %broadcast_in_dim3A_48 = vector.broadcast %broadcast_in_dim3A : f32 to vector<16xf32>
    %broadcast_in_dim3A_49 = arith.constant 0.000000e+00 : f32
    %broadcast_in_dim3A_50 = vector.broadcast %broadcast_in_dim3A_49 : f32 to vector<16xf32>
    %broadcast_in_dim3A_51 = arith.constant 0.000000e+00 : f32
    %broadcast_in_dim3A_52 = vector.broadcast %broadcast_in_dim3A_51 : f32 to vector<16xf32>
    %broadcast_in_dim3A_53 = arith.constant 0.000000e+00 : f32
    %broadcast_in_dim3A_54 = vector.broadcast %broadcast_in_dim3A_53 : f32 to vector<16xf32>
    %broadcast_in_dim3A_55 = arith.constant 0.000000e+00 : f32
    %broadcast_in_dim3A_56 = vector.broadcast %broadcast_in_dim3A_55 : f32 to vector<16xf32>
    %broadcast_in_dim3A_57 = arith.constant 0.000000e+00 : f32
    %broadcast_in_dim3A_58 = vector.broadcast %broadcast_in_dim3A_57 : f32 to vector<16xf32>
    %broadcast_in_dim3A_59 = arith.constant 0.000000e+00 : f32
    %broadcast_in_dim3A_60 = vector.broadcast %broadcast_in_dim3A_59 : f32 to vector<16xf32>
    %broadcast_in_dim3A_61 = arith.constant 0.000000e+00 : f32
    %broadcast_in_dim3A_62 = vector.broadcast %broadcast_in_dim3A_61 : f32 to vector<16xf32>
    %dma_wait3A = arith.constant 0 : i32
    %dma_wait3A_63 = arith.constant 0 : i32
    %dma_wait3A_64 = arith.constant 0 : i32
    %dma_wait3A_65 = arith.constant 0 : i32
    %dma_wait3A_66 = tpu.memref_slice %arg6[%dma_wait3A_63, %dma_wait3A_64, %dma_wait3A_65] : memref<4x128x64xf32, #tpu.memory_space<vmem>> -> memref<1x128x64xf32, #tpu.memory_space<vmem>>
    %dma_wait3A_67 = tpu.memref_squeeze %dma_wait3A_66 : memref<1x128x64xf32, #tpu.memory_space<vmem>> -> memref<128x64xf32, #tpu.memory_space<vmem>>
    %dma_wait3A_68 = arith.constant 0 : i32
    %dma_wait3A_69 = tpu.memref_slice %arg5[%dma_wait3A, %dma_wait3A_68] : memref<4x128xi32, #tpu.memory_space<vmem>> -> memref<1x128xi32, #tpu.memory_space<vmem>>
    %dma_wait3A_70 = tpu.memref_squeeze %dma_wait3A_69 : memref<1x128xi32, #tpu.memory_space<vmem>> -> memref<128xi32, #tpu.memory_space<vmem>>
    %dma_wait3A_71 = arith.constant 0 : i32
    %dma_wait3A_72 = arith.constant 0 : i32
    %dma_wait3A_73 = tpu.memref_slice %arg3[%dma_wait3A_71, %dma_wait3A_72] : memref<4096x64xf32, #tpu.memory_space<hbm>> -> memref<4096x64xf32, #tpu.memory_space<hbm>>
    tpu.wait_indirect_dma semaphore(%arg8 : memref<!tpu.dma_semaphore, #tpu.memory_space<semaphore_mem>>) src(%dma_wait3A_73 : memref<4096x64xf32, #tpu.memory_space<hbm>>) dst(%dma_wait3A_67 : memref<128x64xf32, #tpu.memory_space<vmem>>)
    %scan3A = arith.constant 0 : i32
    %scan3A_74 = arith.constant 64 : i32
    %scan3A_75 = arith.addi %scan3A, %scan3A_74 : i32
    %scan3A_76 = arith.constant 1 : i32
    %scan3A_77:8 = scf.for %scan3A_152 = %scan3A to %scan3A_75 step %scan3A_76 iter_args(%scan3A_153 = %broadcast_in_dim3A_48, %scan3A_154 = %broadcast_in_dim3A_50, %scan3A_155 = %broadcast_in_dim3A_52, %scan3A_156 = %broadcast_in_dim3A_54, %scan3A_157 = %broadcast_in_dim3A_56, %scan3A_158 = %broadcast_in_dim3A_58, %scan3A_159 = %broadcast_in_dim3A_60, %scan3A_160 = %broadcast_in_dim3A_62) -> (vector<16xf32>, vector<16xf32>, vector<16xf32>, vector<16xf32>, vector<16xf32>, vector<16xf32>, vector<16xf32>, vector<16xf32>)  : i32 {
      %mul3A_161 = arith.constant 2 : i32
      %mul3A_162 = arith.muli %mul3A_161, %scan3A_152 : i32
      %get3A = arith.constant 0 : i32
      %get3A_163 = arith.index_cast %get3A : i32 to index
      %get3A_164 = arith.index_cast %mul3A_162 : i32 to index
      %get3A_165 = arith.constant 0 : index
      %get3A_166 = tpu.vector_load %arg6[%get3A_163, %get3A_164, %get3A_165] {strides = array<i32>} : memref<4x128x64xf32, #tpu.memory_space<vmem>>, vector<1x1x16xf32>,
      %get3A_167 = vector.shape_cast %get3A_166 : vector<1x1x16xf32> to vector<16xf32>
      %add3A_168 = arith.addf %scan3A_153, %get3A_167 : vector<16xf32>
      %mul3A_169 = arith.constant 2 : i32
      %mul3A_170 = arith.muli %mul3A_169, %scan3A_152 : i32
      %get3A_171 = arith.constant 0 : i32
      %get3A_172 = arith.index_cast %get3A_171 : i32 to index
      %get3A_173 = arith.index_cast %mul3A_170 : i32 to index
      %get3A_174 = arith.constant 16 : index
      %get3A_175 = tpu.vector_load %arg6[%get3A_172, %get3A_173, %get3A_174] {strides = array<i32>} : memref<4x128x64xf32, #tpu.memory_space<vmem>>, vector<1x1x16xf32>,
      %get3A_176 = vector.shape_cast %get3A_175 : vector<1x1x16xf32> to vector<16xf32>
      %add3A_177 = arith.addf %scan3A_154, %get3A_176 : vector<16xf32>
      %mul3A_178 = arith.constant 2 : i32
      %mul3A_179 = arith.muli %mul3A_178, %scan3A_152 : i32
      %get3A_180 = arith.constant 0 : i32
      %get3A_181 = arith.index_cast %get3A_180 : i32 to index
      %get3A_182 = arith.index_cast %mul3A_179 : i32 to index
      %get3A_183 = arith.constant 32 : index
      %get3A_184 = tpu.vector_load %arg6[%get3A_181, %get3A_182, %get3A_183] {strides = array<i32>} : memref<4x128x64xf32, #tpu.memory_space<vmem>>, vector<1x1x16xf32>,
      %get3A_185 = vector.shape_cast %get3A_184 : vector<1x1x16xf32> to vector<16xf32>
      %add3A_186 = arith.addf %scan3A_155, %get3A_185 : vector<16xf32>
      %mul3A_187 = arith.constant 2 : i32
      %mul3A_188 = arith.muli %mul3A_187, %scan3A_152 : i32
      %get3A_189 = arith.constant 0 : i32
      %get3A_190 = arith.index_cast %get3A_189 : i32 to index
      %get3A_191 = arith.index_cast %mul3A_188 : i32 to index
      %get3A_192 = arith.constant 48 : index
      %get3A_193 = tpu.vector_load %arg6[%get3A_190, %get3A_191, %get3A_192] {strides = array<i32>} : memref<4x128x64xf32, #tpu.memory_space<vmem>>, vector<1x1x16xf32>,
      %get3A_194 = vector.shape_cast %get3A_193 : vector<1x1x16xf32> to vector<16xf32>
      %add3A_195 = arith.addf %scan3A_156, %get3A_194 : vector<16xf32>
      %mul3A_196 = arith.constant 2 : i32
      %mul3A_197 = arith.muli %mul3A_196, %scan3A_152 : i32
      %add3A_198 = arith.constant 1 : i32
      %add3A_199 = arith.addi %mul3A_197, %add3A_198 : i32
      %get3A_200 = arith.constant 0 : i32
      %get3A_201 = arith.index_cast %get3A_200 : i32 to index
      %get3A_202 = arith.index_cast %add3A_199 : i32 to index
      %get3A_203 = arith.constant 0 : index
      %get3A_204 = tpu.vector_load %arg6[%get3A_201, %get3A_202, %get3A_203] {strides = array<i32>} : memref<4x128x64xf32, #tpu.memory_space<vmem>>, vector<1x1x16xf32>,
      %get3A_205 = vector.shape_cast %get3A_204 : vector<1x1x16xf32> to vector<16xf32>
      %add3A_206 = arith.addf %scan3A_157, %get3A_205 : vector<16xf32>
      %mul3A_207 = arith.constant 2 : i32
      %mul3A_208 = arith.muli %mul3A_207, %scan3A_152 : i32
      %add3A_209 = arith.constant 1 : i32
      %add3A_210 = arith.addi %mul3A_208, %add3A_209 : i32
      %get3A_211 = arith.constant 0 : i32
      %get3A_212 = arith.index_cast %get3A_211 : i32 to index
      %get3A_213 = arith.index_cast %add3A_210 : i32 to index
      %get3A_214 = arith.constant 16 : index
      %get3A_215 = tpu.vector_load %arg6[%get3A_212, %get3A_213, %get3A_214] {strides = array<i32>} : memref<4x128x64xf32, #tpu.memory_space<vmem>>, vector<1x1x16xf32>,
      %get3A_216 = vector.shape_cast %get3A_215 : vector<1x1x16xf32> to vector<16xf32>
      %add3A_217 = arith.addf %scan3A_158, %get3A_216 : vector<16xf32>
      %mul3A_218 = arith.constant 2 : i32
      %mul3A_219 = arith.muli %mul3A_218, %scan3A_152 : i32
      %add3A_220 = arith.constant 1 : i32
      %add3A_221 = arith.addi %mul3A_219, %add3A_220 : i32
      %get3A_222 = arith.constant 0 : i32
      %get3A_223 = arith.index_cast %get3A_222 : i32 to index
      %get3A_224 = arith.index_cast %add3A_221 : i32 to index
      %get3A_225 = arith.constant 32 : index
      %get3A_226 = tpu.vector_load %arg6[%get3A_223, %get3A_224, %get3A_225] {strides = array<i32>} : memref<4x128x64xf32, #tpu.memory_space<vmem>>, vector<1x1x16xf32>,
      %get3A_227 = vector.shape_cast %get3A_226 : vector<1x1x16xf32> to vector<16xf32>
      %add3A_228 = arith.addf %scan3A_159, %get3A_227 : vector<16xf32>
      %mul3A_229 = arith.constant 2 : i32
      %mul3A_230 = arith.muli %mul3A_229, %scan3A_152 : i32
      %add3A_231 = arith.constant 1 : i32
      %add3A_232 = arith.addi %mul3A_230, %add3A_231 : i32
      %get3A_233 = arith.constant 0 : i32
      %get3A_234 = arith.index_cast %get3A_233 : i32 to index
      %get3A_235 = arith.index_cast %add3A_232 : i32 to index
      %get3A_236 = arith.constant 48 : index
      %get3A_237 = tpu.vector_load %arg6[%get3A_234, %get3A_235, %get3A_236] {strides = array<i32>} : memref<4x128x64xf32, #tpu.memory_space<vmem>>, vector<1x1x16xf32>,
      %get3A_238 = vector.shape_cast %get3A_237 : vector<1x1x16xf32> to vector<16xf32>
      %add3A_239 = arith.addf %scan3A_160, %get3A_238 : vector<16xf32>
      scf.yield %add3A_168, %add3A_177, %add3A_186, %add3A_195, %add3A_206, %add3A_217, %add3A_228, %add3A_239 : vector<16xf32>, vector<16xf32>, vector<16xf32>, vector<16xf32>, vector<16xf32>, vector<16xf32>, vector<16xf32>, vector<16xf32>
    }
    %scan3A_78 = arith.constant 64 : i32
    %dma_wait3A_79 = arith.constant 1 : i32
    %dma_wait3A_80 = arith.constant 1 : i32
    %dma_wait3A_81 = arith.constant 0 : i32
    %dma_wait3A_82 = arith.constant 0 : i32
    %dma_wait3A_83 = tpu.memref_slice %arg6[%dma_wait3A_80, %dma_wait3A_81, %dma_wait3A_82] : memref<4x128x64xf32, #tpu.memory_space<vmem>> -> memref<1x128x64xf32, #tpu.memory_space<vmem>>
    %dma_wait3A_84 = tpu.memref_squeeze %dma_wait3A_83 : memref<1x128x64xf32, #tpu.memory_space<vmem>> -> memref<128x64xf32, #tpu.memory_space<vmem>>
    %dma_wait3A_85 = arith.constant 0 : i32
    %dma_wait3A_86 = tpu.memref_slice %arg5[%dma_wait3A_79, %dma_wait3A_85] : memref<4x128xi32, #tpu.memory_space<vmem>> -> memref<1x128xi32, #tpu.memory_space<vmem>>
    %dma_wait3A_87 = tpu.memref_squeeze %dma_wait3A_86 : memref<1x128xi32, #tpu.memory_space<vmem>> -> memref<128xi32, #tpu.memory_space<vmem>>
    %dma_wait3A_88 = arith.constant 0 : i32
    %dma_wait3A_89 = arith.constant 0 : i32
    %dma_wait3A_90 = tpu.memref_slice %arg3[%dma_wait3A_88, %dma_wait3A_89] : memref<4096x64xf32, #tpu.memory_space<hbm>> -> memref<4096x64xf32, #tpu.memory_space<hbm>>
    tpu.wait_indirect_dma semaphore(%arg8 : memref<!tpu.dma_semaphore, #tpu.memory_space<semaphore_mem>>) src(%dma_wait3A_90 : memref<4096x64xf32, #tpu.memory_space<hbm>>) dst(%dma_wait3A_84 : memref<128x64xf32, #tpu.memory_space<vmem>>)
    %scan3A_91 = arith.constant 0 : i32
    %scan3A_92 = arith.constant 64 : i32
    %scan3A_93 = arith.addi %scan3A_91, %scan3A_92 : i32
    %scan3A_94 = arith.constant 1 : i32
    %scan3A_95:8 = scf.for %scan3A_152 = %scan3A_91 to %scan3A_93 step %scan3A_94 iter_args(%scan3A_153 = %scan3A_77#0, %scan3A_154 = %scan3A_77#1, %scan3A_155 = %scan3A_77#2, %scan3A_156 = %scan3A_77#3, %scan3A_157 = %scan3A_77#4, %scan3A_158 = %scan3A_77#5, %scan3A_159 = %scan3A_77#6, %scan3A_160 = %scan3A_77#7) -> (vector<16xf32>, vector<16xf32>, vector<16xf32>, vector<16xf32>, vector<16xf32>, vector<16xf32>, vector<16xf32>, vector<16xf32>)  : i32 {
      %mul3A_161 = arith.constant 2 : i32
      %mul3A_162 = arith.muli %mul3A_161, %scan3A_152 : i32
      %get3A = arith.constant 1 : i32
      %get3A_163 = arith.index_cast %get3A : i32 to index
      %get3A_164 = arith.index_cast %mul3A_162 : i32 to index
      %get3A_165 = arith.constant 0 : index
      %get3A_166 = tpu.vector_load %arg6[%get3A_163, %get3A_164, %get3A_165] {strides = array<i32>} : memref<4x128x64xf32, #tpu.memory_space<vmem>>, vector<1x1x16xf32>,
      %get3A_167 = vector.shape_cast %get3A_166 : vector<1x1x16xf32> to vector<16xf32>
      %add3A_168 = arith.addf %scan3A_153, %get3A_167 : vector<16xf32>
      %mul3A_169 = arith.constant 2 : i32
      %mul3A_170 = arith.muli %mul3A_169, %scan3A_152 : i32
      %get3A_171 = arith.constant 1 : i32
      %get3A_172 = arith.index_cast %get3A_171 : i32 to index
      %get3A_173 = arith.index_cast %mul3A_170 : i32 to index
      %get3A_174 = arith.constant 16 : index
      %get3A_175 = tpu.vector_load %arg6[%get3A_172, %get3A_173, %get3A_174] {strides = array<i32>} : memref<4x128x64xf32, #tpu.memory_space<vmem>>, vector<1x1x16xf32>,
      %get3A_176 = vector.shape_cast %get3A_175 : vector<1x1x16xf32> to vector<16xf32>
      %add3A_177 = arith.addf %scan3A_154, %get3A_176 : vector<16xf32>
      %mul3A_178 = arith.constant 2 : i32
      %mul3A_179 = arith.muli %mul3A_178, %scan3A_152 : i32
      %get3A_180 = arith.constant 1 : i32
      %get3A_181 = arith.index_cast %get3A_180 : i32 to index
      %get3A_182 = arith.index_cast %mul3A_179 : i32 to index
      %get3A_183 = arith.constant 32 : index
      %get3A_184 = tpu.vector_load %arg6[%get3A_181, %get3A_182, %get3A_183] {strides = array<i32>} : memref<4x128x64xf32, #tpu.memory_space<vmem>>, vector<1x1x16xf32>,
      %get3A_185 = vector.shape_cast %get3A_184 : vector<1x1x16xf32> to vector<16xf32>
      %add3A_186 = arith.addf %scan3A_155, %get3A_185 : vector<16xf32>
      %mul3A_187 = arith.constant 2 : i32
      %mul3A_188 = arith.muli %mul3A_187, %scan3A_152 : i32
      %get3A_189 = arith.constant 1 : i32
      %get3A_190 = arith.index_cast %get3A_189 : i32 to index
      %get3A_191 = arith.index_cast %mul3A_188 : i32 to index
      %get3A_192 = arith.constant 48 : index
      %get3A_193 = tpu.vector_load %arg6[%get3A_190, %get3A_191, %get3A_192] {strides = array<i32>} : memref<4x128x64xf32, #tpu.memory_space<vmem>>, vector<1x1x16xf32>,
      %get3A_194 = vector.shape_cast %get3A_193 : vector<1x1x16xf32> to vector<16xf32>
      %add3A_195 = arith.addf %scan3A_156, %get3A_194 : vector<16xf32>
      %mul3A_196 = arith.constant 2 : i32
      %mul3A_197 = arith.muli %mul3A_196, %scan3A_152 : i32
      %add3A_198 = arith.constant 1 : i32
      %add3A_199 = arith.addi %mul3A_197, %add3A_198 : i32
      %get3A_200 = arith.constant 1 : i32
      %get3A_201 = arith.index_cast %get3A_200 : i32 to index
      %get3A_202 = arith.index_cast %add3A_199 : i32 to index
      %get3A_203 = arith.constant 0 : index
      %get3A_204 = tpu.vector_load %arg6[%get3A_201, %get3A_202, %get3A_203] {strides = array<i32>} : memref<4x128x64xf32, #tpu.memory_space<vmem>>, vector<1x1x16xf32>,
      %get3A_205 = vector.shape_cast %get3A_204 : vector<1x1x16xf32> to vector<16xf32>
      %add3A_206 = arith.addf %scan3A_157, %get3A_205 : vector<16xf32>
      %mul3A_207 = arith.constant 2 : i32
      %mul3A_208 = arith.muli %mul3A_207, %scan3A_152 : i32
      %add3A_209 = arith.constant 1 : i32
      %add3A_210 = arith.addi %mul3A_208, %add3A_209 : i32
      %get3A_211 = arith.constant 1 : i32
      %get3A_212 = arith.index_cast %get3A_211 : i32 to index
      %get3A_213 = arith.index_cast %add3A_210 : i32 to index
      %get3A_214 = arith.constant 16 : index
      %get3A_215 = tpu.vector_load %arg6[%get3A_212, %get3A_213, %get3A_214] {strides = array<i32>} : memref<4x128x64xf32, #tpu.memory_space<vmem>>, vector<1x1x16xf32>,
      %get3A_216 = vector.shape_cast %get3A_215 : vector<1x1x16xf32> to vector<16xf32>
      %add3A_217 = arith.addf %scan3A_158, %get3A_216 : vector<16xf32>
      %mul3A_218 = arith.constant 2 : i32
      %mul3A_219 = arith.muli %mul3A_218, %scan3A_152 : i32
      %add3A_220 = arith.constant 1 : i32
      %add3A_221 = arith.addi %mul3A_219, %add3A_220 : i32
      %get3A_222 = arith.constant 1 : i32
      %get3A_223 = arith.index_cast %get3A_222 : i32 to index
      %get3A_224 = arith.index_cast %add3A_221 : i32 to index
      %get3A_225 = arith.constant 32 : index
      %get3A_226 = tpu.vector_load %arg6[%get3A_223, %get3A_224, %get3A_225] {strides = array<i32>} : memref<4x128x64xf32, #tpu.memory_space<vmem>>, vector<1x1x16xf32>,
      %get3A_227 = vector.shape_cast %get3A_226 : vector<1x1x16xf32> to vector<16xf32>
      %add3A_228 = arith.addf %scan3A_159, %get3A_227 : vector<16xf32>
      %mul3A_229 = arith.constant 2 : i32
      %mul3A_230 = arith.muli %mul3A_229, %scan3A_152 : i32
      %add3A_231 = arith.constant 1 : i32
      %add3A_232 = arith.addi %mul3A_230, %add3A_231 : i32
      %get3A_233 = arith.constant 1 : i32
      %get3A_234 = arith.index_cast %get3A_233 : i32 to index
      %get3A_235 = arith.index_cast %add3A_232 : i32 to index
      %get3A_236 = arith.constant 48 : index
      %get3A_237 = tpu.vector_load %arg6[%get3A_234, %get3A_235, %get3A_236] {strides = array<i32>} : memref<4x128x64xf32, #tpu.memory_space<vmem>>, vector<1x1x16xf32>,
      %get3A_238 = vector.shape_cast %get3A_237 : vector<1x1x16xf32> to vector<16xf32>
      %add3A_239 = arith.addf %scan3A_160, %get3A_238 : vector<16xf32>
      scf.yield %add3A_168, %add3A_177, %add3A_186, %add3A_195, %add3A_206, %add3A_217, %add3A_228, %add3A_239 : vector<16xf32>, vector<16xf32>, vector<16xf32>, vector<16xf32>, vector<16xf32>, vector<16xf32>, vector<16xf32>, vector<16xf32>
    }
    %scan3A_96 = arith.constant 64 : i32
    %dma_wait3A_97 = arith.constant 2 : i32
    %dma_wait3A_98 = arith.constant 2 : i32
    %dma_wait3A_99 = arith.constant 0 : i32
    %dma_wait3A_100 = arith.constant 0 : i32
    %dma_wait3A_101 = tpu.memref_slice %arg6[%dma_wait3A_98, %dma_wait3A_99, %dma_wait3A_100] : memref<4x128x64xf32, #tpu.memory_space<vmem>> -> memref<1x128x64xf32, #tpu.memory_space<vmem>>
    %dma_wait3A_102 = tpu.memref_squeeze %dma_wait3A_101 : memref<1x128x64xf32, #tpu.memory_space<vmem>> -> memref<128x64xf32, #tpu.memory_space<vmem>>
    %dma_wait3A_103 = arith.constant 0 : i32
    %dma_wait3A_104 = tpu.memref_slice %arg5[%dma_wait3A_97, %dma_wait3A_103] : memref<4x128xi32, #tpu.memory_space<vmem>> -> memref<1x128xi32, #tpu.memory_space<vmem>>
    %dma_wait3A_105 = tpu.memref_squeeze %dma_wait3A_104 : memref<1x128xi32, #tpu.memory_space<vmem>> -> memref<128xi32, #tpu.memory_space<vmem>>
    %dma_wait3A_106 = arith.constant 0 : i32
    %dma_wait3A_107 = arith.constant 0 : i32
    %dma_wait3A_108 = tpu.memref_slice %arg3[%dma_wait3A_106, %dma_wait3A_107] : memref<4096x64xf32, #tpu.memory_space<hbm>> -> memref<4096x64xf32, #tpu.memory_space<hbm>>
    tpu.wait_indirect_dma semaphore(%arg8 : memref<!tpu.dma_semaphore, #tpu.memory_space<semaphore_mem>>) src(%dma_wait3A_108 : memref<4096x64xf32, #tpu.memory_space<hbm>>) dst(%dma_wait3A_102 : memref<128x64xf32, #tpu.memory_space<vmem>>)
    %scan3A_109 = arith.constant 0 : i32
    %scan3A_110 = arith.constant 64 : i32
    %scan3A_111 = arith.addi %scan3A_109, %scan3A_110 : i32
    %scan3A_112 = arith.constant 1 : i32
    %scan3A_113:8 = scf.for %scan3A_152 = %scan3A_109 to %scan3A_111 step %scan3A_112 iter_args(%scan3A_153 = %scan3A_95#0, %scan3A_154 = %scan3A_95#1, %scan3A_155 = %scan3A_95#2, %scan3A_156 = %scan3A_95#3, %scan3A_157 = %scan3A_95#4, %scan3A_158 = %scan3A_95#5, %scan3A_159 = %scan3A_95#6, %scan3A_160 = %scan3A_95#7) -> (vector<16xf32>, vector<16xf32>, vector<16xf32>, vector<16xf32>, vector<16xf32>, vector<16xf32>, vector<16xf32>, vector<16xf32>)  : i32 {
      %mul3A_161 = arith.constant 2 : i32
      %mul3A_162 = arith.muli %mul3A_161, %scan3A_152 : i32
      %get3A = arith.constant 2 : i32
      %get3A_163 = arith.index_cast %get3A : i32 to index
      %get3A_164 = arith.index_cast %mul3A_162 : i32 to index
      %get3A_165 = arith.constant 0 : index
      %get3A_166 = tpu.vector_load %arg6[%get3A_163, %get3A_164, %get3A_165] {strides = array<i32>} : memref<4x128x64xf32, #tpu.memory_space<vmem>>, vector<1x1x16xf32>,
      %get3A_167 = vector.shape_cast %get3A_166 : vector<1x1x16xf32> to vector<16xf32>
      %add3A_168 = arith.addf %scan3A_153, %get3A_167 : vector<16xf32>
      %mul3A_169 = arith.constant 2 : i32
      %mul3A_170 = arith.muli %mul3A_169, %scan3A_152 : i32
      %get3A_171 = arith.constant 2 : i32
      %get3A_172 = arith.index_cast %get3A_171 : i32 to index
      %get3A_173 = arith.index_cast %mul3A_170 : i32 to index
      %get3A_174 = arith.constant 16 : index
      %get3A_175 = tpu.vector_load %arg6[%get3A_172, %get3A_173, %get3A_174] {strides = array<i32>} : memref<4x128x64xf32, #tpu.memory_space<vmem>>, vector<1x1x16xf32>,
      %get3A_176 = vector.shape_cast %get3A_175 : vector<1x1x16xf32> to vector<16xf32>
      %add3A_177 = arith.addf %scan3A_154, %get3A_176 : vector<16xf32>
      %mul3A_178 = arith.constant 2 : i32
      %mul3A_179 = arith.muli %mul3A_178, %scan3A_152 : i32
      %get3A_180 = arith.constant 2 : i32
      %get3A_181 = arith.index_cast %get3A_180 : i32 to index
      %get3A_182 = arith.index_cast %mul3A_179 : i32 to index
      %get3A_183 = arith.constant 32 : index
      %get3A_184 = tpu.vector_load %arg6[%get3A_181, %get3A_182, %get3A_183] {strides = array<i32>} : memref<4x128x64xf32, #tpu.memory_space<vmem>>, vector<1x1x16xf32>,
      %get3A_185 = vector.shape_cast %get3A_184 : vector<1x1x16xf32> to vector<16xf32>
      %add3A_186 = arith.addf %scan3A_155, %get3A_185 : vector<16xf32>
      %mul3A_187 = arith.constant 2 : i32
      %mul3A_188 = arith.muli %mul3A_187, %scan3A_152 : i32
      %get3A_189 = arith.constant 2 : i32
      %get3A_190 = arith.index_cast %get3A_189 : i32 to index
      %get3A_191 = arith.index_cast %mul3A_188 : i32 to index
      %get3A_192 = arith.constant 48 : index
      %get3A_193 = tpu.vector_load %arg6[%get3A_190, %get3A_191, %get3A_192] {strides = array<i32>} : memref<4x128x64xf32, #tpu.memory_space<vmem>>, vector<1x1x16xf32>,
      %get3A_194 = vector.shape_cast %get3A_193 : vector<1x1x16xf32> to vector<16xf32>
      %add3A_195 = arith.addf %scan3A_156, %get3A_194 : vector<16xf32>
      %mul3A_196 = arith.constant 2 : i32
      %mul3A_197 = arith.muli %mul3A_196, %scan3A_152 : i32
      %add3A_198 = arith.constant 1 : i32
      %add3A_199 = arith.addi %mul3A_197, %add3A_198 : i32
      %get3A_200 = arith.constant 2 : i32
      %get3A_201 = arith.index_cast %get3A_200 : i32 to index
      %get3A_202 = arith.index_cast %add3A_199 : i32 to index
      %get3A_203 = arith.constant 0 : index
      %get3A_204 = tpu.vector_load %arg6[%get3A_201, %get3A_202, %get3A_203] {strides = array<i32>} : memref<4x128x64xf32, #tpu.memory_space<vmem>>, vector<1x1x16xf32>,
      %get3A_205 = vector.shape_cast %get3A_204 : vector<1x1x16xf32> to vector<16xf32>
      %add3A_206 = arith.addf %scan3A_157, %get3A_205 : vector<16xf32>
      %mul3A_207 = arith.constant 2 : i32
      %mul3A_208 = arith.muli %mul3A_207, %scan3A_152 : i32
      %add3A_209 = arith.constant 1 : i32
      %add3A_210 = arith.addi %mul3A_208, %add3A_209 : i32
      %get3A_211 = arith.constant 2 : i32
      %get3A_212 = arith.index_cast %get3A_211 : i32 to index
      %get3A_213 = arith.index_cast %add3A_210 : i32 to index
      %get3A_214 = arith.constant 16 : index
      %get3A_215 = tpu.vector_load %arg6[%get3A_212, %get3A_213, %get3A_214] {strides = array<i32>} : memref<4x128x64xf32, #tpu.memory_space<vmem>>, vector<1x1x16xf32>,
      %get3A_216 = vector.shape_cast %get3A_215 : vector<1x1x16xf32> to vector<16xf32>
      %add3A_217 = arith.addf %scan3A_158, %get3A_216 : vector<16xf32>
      %mul3A_218 = arith.constant 2 : i32
      %mul3A_219 = arith.muli %mul3A_218, %scan3A_152 : i32
      %add3A_220 = arith.constant 1 : i32
      %add3A_221 = arith.addi %mul3A_219, %add3A_220 : i32
      %get3A_222 = arith.constant 2 : i32
      %get3A_223 = arith.index_cast %get3A_222 : i32 to index
      %get3A_224 = arith.index_cast %add3A_221 : i32 to index
      %get3A_225 = arith.constant 32 : index
      %get3A_226 = tpu.vector_load %arg6[%get3A_223, %get3A_224, %get3A_225] {strides = array<i32>} : memref<4x128x64xf32, #tpu.memory_space<vmem>>, vector<1x1x16xf32>,
      %get3A_227 = vector.shape_cast %get3A_226 : vector<1x1x16xf32> to vector<16xf32>
      %add3A_228 = arith.addf %scan3A_159, %get3A_227 : vector<16xf32>
      %mul3A_229 = arith.constant 2 : i32
      %mul3A_230 = arith.muli %mul3A_229, %scan3A_152 : i32
      %add3A_231 = arith.constant 1 : i32
      %add3A_232 = arith.addi %mul3A_230, %add3A_231 : i32
      %get3A_233 = arith.constant 2 : i32
      %get3A_234 = arith.index_cast %get3A_233 : i32 to index
      %get3A_235 = arith.index_cast %add3A_232 : i32 to index
      %get3A_236 = arith.constant 48 : index
      %get3A_237 = tpu.vector_load %arg6[%get3A_234, %get3A_235, %get3A_236] {strides = array<i32>} : memref<4x128x64xf32, #tpu.memory_space<vmem>>, vector<1x1x16xf32>,
      %get3A_238 = vector.shape_cast %get3A_237 : vector<1x1x16xf32> to vector<16xf32>
      %add3A_239 = arith.addf %scan3A_160, %get3A_238 : vector<16xf32>
      scf.yield %add3A_168, %add3A_177, %add3A_186, %add3A_195, %add3A_206, %add3A_217, %add3A_228, %add3A_239 : vector<16xf32>, vector<16xf32>, vector<16xf32>, vector<16xf32>, vector<16xf32>, vector<16xf32>, vector<16xf32>, vector<16xf32>
    }
    %scan3A_114 = arith.constant 64 : i32
    %dma_wait3A_115 = arith.constant 3 : i32
    %dma_wait3A_116 = arith.constant 3 : i32
    %dma_wait3A_117 = arith.constant 0 : i32
    %dma_wait3A_118 = arith.constant 0 : i32
    %dma_wait3A_119 = tpu.memref_slice %arg6[%dma_wait3A_116, %dma_wait3A_117, %dma_wait3A_118] : memref<4x128x64xf32, #tpu.memory_space<vmem>> -> memref<1x128x64xf32, #tpu.memory_space<vmem>>
    %dma_wait3A_120 = tpu.memref_squeeze %dma_wait3A_119 : memref<1x128x64xf32, #tpu.memory_space<vmem>> -> memref<128x64xf32, #tpu.memory_space<vmem>>
    %dma_wait3A_121 = arith.constant 0 : i32
    %dma_wait3A_122 = tpu.memref_slice %arg5[%dma_wait3A_115, %dma_wait3A_121] : memref<4x128xi32, #tpu.memory_space<vmem>> -> memref<1x128xi32, #tpu.memory_space<vmem>>
    %dma_wait3A_123 = tpu.memref_squeeze %dma_wait3A_122 : memref<1x128xi32, #tpu.memory_space<vmem>> -> memref<128xi32, #tpu.memory_space<vmem>>
    %dma_wait3A_124 = arith.constant 0 : i32
    %dma_wait3A_125 = arith.constant 0 : i32
    %dma_wait3A_126 = tpu.memref_slice %arg3[%dma_wait3A_124, %dma_wait3A_125] : memref<4096x64xf32, #tpu.memory_space<hbm>> -> memref<4096x64xf32, #tpu.memory_space<hbm>>
    tpu.wait_indirect_dma semaphore(%arg8 : memref<!tpu.dma_semaphore, #tpu.memory_space<semaphore_mem>>) src(%dma_wait3A_126 : memref<4096x64xf32, #tpu.memory_space<hbm>>) dst(%dma_wait3A_120 : memref<128x64xf32, #tpu.memory_space<vmem>>)
    %scan3A_127 = arith.constant 0 : i32
    %scan3A_128 = arith.constant 64 : i32
    %scan3A_129 = arith.addi %scan3A_127, %scan3A_128 : i32
    %scan3A_130 = arith.constant 1 : i32
    %scan3A_131:8 = scf.for %scan3A_152 = %scan3A_127 to %scan3A_129 step %scan3A_130 iter_args(%scan3A_153 = %scan3A_113#0, %scan3A_154 = %scan3A_113#1, %scan3A_155 = %scan3A_113#2, %scan3A_156 = %scan3A_113#3, %scan3A_157 = %scan3A_113#4, %scan3A_158 = %scan3A_113#5, %scan3A_159 = %scan3A_113#6, %scan3A_160 = %scan3A_113#7) -> (vector<16xf32>, vector<16xf32>, vector<16xf32>, vector<16xf32>, vector<16xf32>, vector<16xf32>, vector<16xf32>, vector<16xf32>)  : i32 {
      %mul3A_161 = arith.constant 2 : i32
      %mul3A_162 = arith.muli %mul3A_161, %scan3A_152 : i32
      %get3A = arith.constant 3 : i32
      %get3A_163 = arith.index_cast %get3A : i32 to index
      %get3A_164 = arith.index_cast %mul3A_162 : i32 to index
      %get3A_165 = arith.constant 0 : index
      %get3A_166 = tpu.vector_load %arg6[%get3A_163, %get3A_164, %get3A_165] {strides = array<i32>} : memref<4x128x64xf32, #tpu.memory_space<vmem>>, vector<1x1x16xf32>,
      %get3A_167 = vector.shape_cast %get3A_166 : vector<1x1x16xf32> to vector<16xf32>
      %add3A_168 = arith.addf %scan3A_153, %get3A_167 : vector<16xf32>
      %mul3A_169 = arith.constant 2 : i32
      %mul3A_170 = arith.muli %mul3A_169, %scan3A_152 : i32
      %get3A_171 = arith.constant 3 : i32
      %get3A_172 = arith.index_cast %get3A_171 : i32 to index
      %get3A_173 = arith.index_cast %mul3A_170 : i32 to index
      %get3A_174 = arith.constant 16 : index
      %get3A_175 = tpu.vector_load %arg6[%get3A_172, %get3A_173, %get3A_174] {strides = array<i32>} : memref<4x128x64xf32, #tpu.memory_space<vmem>>, vector<1x1x16xf32>,
      %get3A_176 = vector.shape_cast %get3A_175 : vector<1x1x16xf32> to vector<16xf32>
      %add3A_177 = arith.addf %scan3A_154, %get3A_176 : vector<16xf32>
      %mul3A_178 = arith.constant 2 : i32
      %mul3A_179 = arith.muli %mul3A_178, %scan3A_152 : i32
      %get3A_180 = arith.constant 3 : i32
      %get3A_181 = arith.index_cast %get3A_180 : i32 to index
      %get3A_182 = arith.index_cast %mul3A_179 : i32 to index
      %get3A_183 = arith.constant 32 : index
      %get3A_184 = tpu.vector_load %arg6[%get3A_181, %get3A_182, %get3A_183] {strides = array<i32>} : memref<4x128x64xf32, #tpu.memory_space<vmem>>, vector<1x1x16xf32>,
      %get3A_185 = vector.shape_cast %get3A_184 : vector<1x1x16xf32> to vector<16xf32>
      %add3A_186 = arith.addf %scan3A_155, %get3A_185 : vector<16xf32>
      %mul3A_187 = arith.constant 2 : i32
      %mul3A_188 = arith.muli %mul3A_187, %scan3A_152 : i32
      %get3A_189 = arith.constant 3 : i32
      %get3A_190 = arith.index_cast %get3A_189 : i32 to index
      %get3A_191 = arith.index_cast %mul3A_188 : i32 to index
      %get3A_192 = arith.constant 48 : index
      %get3A_193 = tpu.vector_load %arg6[%get3A_190, %get3A_191, %get3A_192] {strides = array<i32>} : memref<4x128x64xf32, #tpu.memory_space<vmem>>, vector<1x1x16xf32>,
      %get3A_194 = vector.shape_cast %get3A_193 : vector<1x1x16xf32> to vector<16xf32>
      %add3A_195 = arith.addf %scan3A_156, %get3A_194 : vector<16xf32>
      %mul3A_196 = arith.constant 2 : i32
      %mul3A_197 = arith.muli %mul3A_196, %scan3A_152 : i32
      %add3A_198 = arith.constant 1 : i32
      %add3A_199 = arith.addi %mul3A_197, %add3A_198 : i32
      %get3A_200 = arith.constant 3 : i32
      %get3A_201 = arith.index_cast %get3A_200 : i32 to index
      %get3A_202 = arith.index_cast %add3A_199 : i32 to index
      %get3A_203 = arith.constant 0 : index
      %get3A_204 = tpu.vector_load %arg6[%get3A_201, %get3A_202, %get3A_203] {strides = array<i32>} : memref<4x128x64xf32, #tpu.memory_space<vmem>>, vector<1x1x16xf32>,
      %get3A_205 = vector.shape_cast %get3A_204 : vector<1x1x16xf32> to vector<16xf32>
      %add3A_206 = arith.addf %scan3A_157, %get3A_205 : vector<16xf32>
      %mul3A_207 = arith.constant 2 : i32
      %mul3A_208 = arith.muli %mul3A_207, %scan3A_152 : i32
      %add3A_209 = arith.constant 1 : i32
      %add3A_210 = arith.addi %mul3A_208, %add3A_209 : i32
      %get3A_211 = arith.constant 3 : i32
      %get3A_212 = arith.index_cast %get3A_211 : i32 to index
      %get3A_213 = arith.index_cast %add3A_210 : i32 to index
      %get3A_214 = arith.constant 16 : index
      %get3A_215 = tpu.vector_load %arg6[%get3A_212, %get3A_213, %get3A_214] {strides = array<i32>} : memref<4x128x64xf32, #tpu.memory_space<vmem>>, vector<1x1x16xf32>,
      %get3A_216 = vector.shape_cast %get3A_215 : vector<1x1x16xf32> to vector<16xf32>
      %add3A_217 = arith.addf %scan3A_158, %get3A_216 : vector<16xf32>
      %mul3A_218 = arith.constant 2 : i32
      %mul3A_219 = arith.muli %mul3A_218, %scan3A_152 : i32
      %add3A_220 = arith.constant 1 : i32
      %add3A_221 = arith.addi %mul3A_219, %add3A_220 : i32
      %get3A_222 = arith.constant 3 : i32
      %get3A_223 = arith.index_cast %get3A_222 : i32 to index
      %get3A_224 = arith.index_cast %add3A_221 : i32 to index
      %get3A_225 = arith.constant 32 : index
      %get3A_226 = tpu.vector_load %arg6[%get3A_223, %get3A_224, %get3A_225] {strides = array<i32>} : memref<4x128x64xf32, #tpu.memory_space<vmem>>, vector<1x1x16xf32>,
      %get3A_227 = vector.shape_cast %get3A_226 : vector<1x1x16xf32> to vector<16xf32>
      %add3A_228 = arith.addf %scan3A_159, %get3A_227 : vector<16xf32>
      %mul3A_229 = arith.constant 2 : i32
      %mul3A_230 = arith.muli %mul3A_229, %scan3A_152 : i32
      %add3A_231 = arith.constant 1 : i32
      %add3A_232 = arith.addi %mul3A_230, %add3A_231 : i32
      %get3A_233 = arith.constant 3 : i32
      %get3A_234 = arith.index_cast %get3A_233 : i32 to index
      %get3A_235 = arith.index_cast %add3A_232 : i32 to index
      %get3A_236 = arith.constant 48 : index
      %get3A_237 = tpu.vector_load %arg6[%get3A_234, %get3A_235, %get3A_236] {strides = array<i32>} : memref<4x128x64xf32, #tpu.memory_space<vmem>>, vector<1x1x16xf32>,
      %get3A_238 = vector.shape_cast %get3A_237 : vector<1x1x16xf32> to vector<16xf32>
      %add3A_239 = arith.addf %scan3A_160, %get3A_238 : vector<16xf32>
      scf.yield %add3A_168, %add3A_177, %add3A_186, %add3A_195, %add3A_206, %add3A_217, %add3A_228, %add3A_239 : vector<16xf32>, vector<16xf32>, vector<16xf32>, vector<16xf32>, vector<16xf32>, vector<16xf32>, vector<16xf32>, vector<16xf32>
    }
    %scan3A_132 = arith.constant 64 : i32
    %add3A_133 = arith.addf %scan3A_131#0, %scan3A_131#4 : vector<16xf32>
    %swap3A = arith.constant 0 : index
    %swap3A_134 = tpu.vector_load %arg7[%swap3A] {strides = array<i32>} : memref<64xf32, #tpu.memory_space<vmem>>, vector<16xf32>,
    %swap3A_135 = vector.shape_cast %swap3A_134 : vector<16xf32> to vector<16xf32>
    %swap3A_136 = vector.shape_cast %add3A_133 : vector<16xf32> to vector<16xf32>
    tpu.vector_store %arg7[%swap3A], %swap3A_136 {strides = array<i32>} : memref<64xf32, #tpu.memory_space<vmem>>, vector<16xf32>,
    %add3A_137 = arith.addf %scan3A_131#1, %scan3A_131#5 : vector<16xf32>
    %swap3A_138 = arith.constant 16 : index
    %swap3A_139 = tpu.vector_load %arg7[%swap3A_138] {strides = array<i32>} : memref<64xf32, #tpu.memory_space<vmem>>, vector<16xf32>,
    %swap3A_140 = vector.shape_cast %swap3A_139 : vector<16xf32> to vector<16xf32>
    %swap3A_141 = vector.shape_cast %add3A_137 : vector<16xf32> to vector<16xf32>
    tpu.vector_store %arg7[%swap3A_138], %swap3A_141 {strides = array<i32>} : memref<64xf32, #tpu.memory_space<vmem>>, vector<16xf32>,
    %add3A_142 = arith.addf %scan3A_131#2, %scan3A_131#6 : vector<16xf32>
    %swap3A_143 = arith.constant 32 : index
    %swap3A_144 = tpu.vector_load %arg7[%swap3A_143] {strides = array<i32>} : memref<64xf32, #tpu.memory_space<vmem>>, vector<16xf32>,
    %swap3A_145 = vector.shape_cast %swap3A_144 : vector<16xf32> to vector<16xf32>
    %swap3A_146 = vector.shape_cast %add3A_142 : vector<16xf32> to vector<16xf32>
    tpu.vector_store %arg7[%swap3A_143], %swap3A_146 {strides = array<i32>} : memref<64xf32, #tpu.memory_space<vmem>>, vector<16xf32>,
    %add3A_147 = arith.addf %scan3A_131#3, %scan3A_131#7 : vector<16xf32>
    %swap3A_148 = arith.constant 48 : index
    %swap3A_149 = tpu.vector_load %arg7[%swap3A_148] {strides = array<i32>} : memref<64xf32, #tpu.memory_space<vmem>>, vector<16xf32>,
    %swap3A_150 = vector.shape_cast %swap3A_149 : vector<16xf32> to vector<16xf32>
    %swap3A_151 = vector.shape_cast %add3A_147 : vector<16xf32> to vector<16xf32>
    tpu.vector_store %arg7[%swap3A_148], %swap3A_151 {strides = array<i32>} : memref<64xf32, #tpu.memory_space<vmem>>, vector<16xf32>,
    "tpu.region"() ({
      %run_scoped3A = tpu.sem_alloc : memref<!tpu.dma_semaphore, #tpu.memory_space<semaphore_mem>>
      %dma_start3A_152 = arith.constant 0 : i32
      %dma_start3A_153 = tpu.memref_slice %arg4[%add3A, %dma_start3A_152] : memref<32x64xf32, #tpu.memory_space<hbm>> -> memref<1x64xf32, #tpu.memory_space<hbm>>
      %dma_start3A_154 = tpu.memref_squeeze %dma_start3A_153 : memref<1x64xf32, #tpu.memory_space<hbm>> -> memref<64xf32, #tpu.memory_space<hbm>>
      %dma_start3A_155 = arith.constant 0 : i32
      %dma_start3A_156 = tpu.memref_slice %arg4[%add3A, %dma_start3A_155] : memref<32x64xf32, #tpu.memory_space<hbm>> -> memref<1x64xf32, #tpu.memory_space<hbm>>
      %dma_start3A_157 = tpu.memref_squeeze %dma_start3A_156 : memref<1x64xf32, #tpu.memory_space<hbm>> -> memref<64xf32, #tpu.memory_space<hbm>>
      tpu.enqueue_dma source(%arg7 : memref<64xf32, #tpu.memory_space<vmem>>) target(%dma_start3A_157 : memref<64xf32, #tpu.memory_space<hbm>>) target_semaphore(%run_scoped3A : memref<!tpu.dma_semaphore, #tpu.memory_space<semaphore_mem>>)
      %dma_wait3A_158 = arith.constant 0 : i32
      %dma_wait3A_159 = tpu.memref_slice %arg4[%add3A, %dma_wait3A_158] : memref<32x64xf32, #tpu.memory_space<hbm>> -> memref<1x64xf32, #tpu.memory_space<hbm>>
      %dma_wait3A_160 = tpu.memref_squeeze %dma_wait3A_159 : memref<1x64xf32, #tpu.memory_space<hbm>> -> memref<64xf32, #tpu.memory_space<hbm>>
      %dma_wait3A_161 = arith.constant 0 : i32
      %dma_wait3A_162 = tpu.memref_slice %arg4[%add3A, %dma_wait3A_161] : memref<32x64xf32, #tpu.memory_space<hbm>> -> memref<1x64xf32, #tpu.memory_space<hbm>>
      %dma_wait3A_163 = tpu.memref_squeeze %dma_wait3A_162 : memref<1x64xf32, #tpu.memory_space<hbm>> -> memref<64xf32, #tpu.memory_space<hbm>>
      tpu.wait_dma2 semaphore(%run_scoped3A : memref<!tpu.dma_semaphore, #tpu.memory_space<semaphore_mem>>) src(%arg7 : memref<64xf32, #tpu.memory_space<vmem>>) dst(%dma_wait3A_163 : memref<64xf32, #tpu.memory_space<hbm>>)
      tpu.yield
    }) : () -> ()
    return
  }
}

module attributes {stable_mosaic.version = 14 : i64} {
  func.func @_argmin_body(%arg0: i32, %arg1: memref<1024x3xf32, #tpu.memory_space<vmem>>, %arg2: memref<4x4096xf32, #tpu.memory_space<vmem>>, %arg3: memref<2x4x128xi32, #tpu.memory_space<vmem>>) attributes {dimension_semantics = [#tpu.dimension_semantics<arbitrary>], iteration_bounds = array<i64: 16>, scalar_prefetch = 0 : i64, scratch_operands = 0 : i64, tpu.core_type = #tpu.core_type<tc>, window_params = [{transform_indices = @transform_0, window_bounds = array<i64: 1024, 3>}, {pipeline_mode = #tpu.pipeline_mode<synchronous>, transform_indices = @transform_1, window_bounds = array<i64: 4, 4096>}, {transform_indices = @transform_2, window_bounds = array<i64: 2, 4, 128>}]} {
    %get3A = arith.constant 0 : index
    %get3A_0 = arith.constant 0 : index
    %get3A_1 = vector.load %arg1[%get3A, %get3A_0] : memref<1024x3xf32, #tpu.memory_space<vmem>>, vector<1024x3xf32>
    %get3A_2 = arith.constant 0 : index
    %get3A_3 = arith.constant 0 : index
    %get3A_4 = vector.load %arg2[%get3A_2, %get3A_3] : memref<4x4096xf32, #tpu.memory_space<vmem>>, vector<4x4096xf32>
    %mul3A = arith.mulf %get3A_4, %get3A_4 : vector<4x4096xf32>
    %reduce_sum3A = arith.constant dense<0.000000e+00> : vector<4096xf32>
    %reduce_sum3A_5 = vector.multi_reduction <add>, %mul3A, %reduce_sum3A [0] : vector<4x4096xf32> to vector<4096xf32>
    %broadcast_in_dim3A = vector.shape_cast %reduce_sum3A_5 : vector<4096xf32> to vector<1x4096xf32>
    %iota3A = tpu.iota {dimensions = array<i32: 0>} : vector<4x4096xi32>
    %eq3A = arith.constant 3 : i32
    %eq3A_6 = vector.broadcast %eq3A : i32 to vector<4x4096xi32>
    %eq3A_7 = arith.cmpi eq, %iota3A, %eq3A_6 : vector<4x4096xi32>
    %mul3A_8 = arith.constant -2.000000e+00 : f32
    %mul3A_9 = vector.broadcast %mul3A_8 : f32 to vector<4x4096xf32>
    %mul3A_10 = arith.mulf %mul3A_9, %get3A_4 : vector<4x4096xf32>
    %broadcast_in_dim3A_11 = vector.shape_cast %broadcast_in_dim3A : vector<1x4096xf32> to vector<1x4096xf32>
    %broadcast_in_dim3A_12 = vector.broadcast %broadcast_in_dim3A_11 : vector<1x4096xf32> to vector<4x4096xf32>
    %select_n3A = arith.select %eq3A_7, %broadcast_in_dim3A_12, %mul3A_10 : vector<4x4096xi1>, vector<4x4096xf32>
    %broadcast_in_dim3A_13 = arith.constant 1.000000e+00 : f32
    %broadcast_in_dim3A_14 = vector.broadcast %broadcast_in_dim3A_13 : f32 to vector<1024x1xf32>
    %concatenate3A = tpu.concatenate %get3A_1, %broadcast_in_dim3A_14 in 1 : vector<1024x3xf32>, vector<1024x1xf32> -> vector<1024x4xf32>
    %dot_general3A = arith.constant dense<0.000000e+00> : vector<1024x4096xf32>
    %dot_general3A_15 = tpu.matmul %concatenate3A, %select_n3A, %dot_general3A {dimension_numbers = #tpu.dot_dimension_numbers<[1], [0], [0], [1], [0, 0, 1, 1], [], []>, transpose_lhs_hint = false} : vector<1024x4xf32>, vector<4x4096xf32>, vector<1024x4096xf32> -> vector<1024x4096xf32>
    %argmin3A = tpu.reduce_index %dot_general3A_15 {axis = 1 : i32, kind = #tpu.reduction_kind<arg_min>} : vector<1024x4096xf32> -> vector<1024xi32>
    %reshape3A = vector.shape_cast %argmin3A : vector<1024xi32> to vector<2x4x128xi32>
    %swap3A = arith.constant 0 : index
    %swap3A_16 = arith.constant 0 : index
    %swap3A_17 = arith.constant 0 : index
    %swap3A_18 = vector.load %arg3[%swap3A, %swap3A_16, %swap3A_17] : memref<2x4x128xi32, #tpu.memory_space<vmem>>, vector<2x4x128xi32>
    tpu.vector_store %arg3[%swap3A, %swap3A_16, %swap3A_17], %reshape3A {strides = array<i32>} : memref<2x4x128xi32, #tpu.memory_space<vmem>>, vector<2x4x128xi32>,
    return
  }
  func.func @transform_0(%arg0: i32) -> (i32, i32) {
    %c0_i32 = arith.constant 0 : i32
    %c0_i32_0 = arith.constant 0 : i32
    return %arg0, %c0_i32 : i32, i32
  }
  func.func @transform_1(%arg0: i32) -> (i32, i32) {
    %c0_i32 = arith.constant 0 : i32
    %c0_i32_0 = arith.constant 0 : i32
    %c0_i32_1 = arith.constant 0 : i32
    return %c0_i32, %c0_i32_0 : i32, i32
  }
  func.func @transform_2(%arg0: i32) -> (i32, i32, i32) {
    %c0_i32 = arith.constant 0 : i32
    %c0_i32_0 = arith.constant 0 : i32
    %c0_i32_1 = arith.constant 0 : i32
    return %arg0, %c0_i32, %c0_i32_0 : i32, i32, i32
  }
}

module attributes {stable_mosaic.version = 14 : i64} {
  func.func @_fusion_body(%arg0: i32, %arg1: i32, %arg2: memref<4096x64xf32, #tpu.memory_space<vmem>>, %arg3: memref<4096x3xf32, #tpu.memory_space<vmem>>, %arg4: memref<32x64xf32, #tpu.memory_space<vmem>>, %arg5: memref<64x16xf32, #tpu.memory_space<vmem>>, %arg6: memref<1x16xf32, #tpu.memory_space<vmem>>, %arg7: memref<16x64xf32, #tpu.memory_space<vmem>>, %arg8: memref<1x64xf32, #tpu.memory_space<vmem>>, %arg9: memref<64x64xf32, #tpu.memory_space<vmem>>, %arg10: memref<3x64xf32, #tpu.memory_space<vmem>>, %arg11: memref<1x64xf32, #tpu.memory_space<vmem>>, %arg12: memref<64x1xf32, #tpu.memory_space<vmem>>, %arg13: memref<1x1xf32, #tpu.memory_space<vmem>>, %arg14: memref<64x64xf32, #tpu.memory_space<vmem>>, %arg15: memref<64x64xf32, #tpu.memory_space<vmem>>, %arg16: memref<1x64xf32, #tpu.memory_space<vmem>>, %arg17: memref<1x64xf32, #tpu.memory_space<vmem>>, %arg18: memref<1x64xf32, #tpu.memory_space<vmem>>, %arg19: memref<4096x64xf32, #tpu.memory_space<vmem>>, %arg20: memref<16384x64xf32, #tpu.memory_space<vmem>>, %arg21: memref<2x64xf32, #tpu.memory_space<vmem>>, %arg22: memref<64x8xf32, #tpu.memory_space<vmem>>) attributes {dimension_semantics = [#tpu.dimension_semantics<arbitrary>, #tpu.dimension_semantics<arbitrary>], iteration_bounds = array<i64: 2, 4>, scalar_prefetch = 0 : i64, scratch_operands = 3 : i64, tpu.core_type = #tpu.core_type<tc>, window_params = [{transform_indices = @transform_0, window_bounds = array<i64: 4096, 64>}, {transform_indices = @transform_1, window_bounds = array<i64: 4096, 3>}, {pipeline_mode = #tpu.pipeline_mode<synchronous>, transform_indices = @transform_2, window_bounds = array<i64: 32, 64>}, {pipeline_mode = #tpu.pipeline_mode<synchronous>, transform_indices = @transform_3, window_bounds = array<i64: 64, 16>}, {pipeline_mode = #tpu.pipeline_mode<synchronous>, transform_indices = @transform_4, window_bounds = array<i64: 1, 16>}, {pipeline_mode = #tpu.pipeline_mode<synchronous>, transform_indices = @transform_5, window_bounds = array<i64: 16, 64>}, {pipeline_mode = #tpu.pipeline_mode<synchronous>, transform_indices = @transform_6, window_bounds = array<i64: 1, 64>}, {pipeline_mode = #tpu.pipeline_mode<synchronous>, transform_indices = @transform_7, window_bounds = array<i64: 64, 64>}, {pipeline_mode = #tpu.pipeline_mode<synchronous>, transform_indices = @transform_8, window_bounds = array<i64: 3, 64>}, {pipeline_mode = #tpu.pipeline_mode<synchronous>, transform_indices = @transform_9, window_bounds = array<i64: 1, 64>}, {pipeline_mode = #tpu.pipeline_mode<synchronous>, transform_indices = @transform_10, window_bounds = array<i64: 64, 1>}, {pipeline_mode = #tpu.pipeline_mode<synchronous>, transform_indices = @transform_11, window_bounds = array<i64: 1, 1>}, {pipeline_mode = #tpu.pipeline_mode<synchronous>, transform_indices = @transform_12, window_bounds = array<i64: 64, 64>}, {pipeline_mode = #tpu.pipeline_mode<synchronous>, transform_indices = @transform_13, window_bounds = array<i64: 64, 64>}, {pipeline_mode = #tpu.pipeline_mode<synchronous>, transform_indices = @transform_14, window_bounds = array<i64: 1, 64>}, {pipeline_mode = #tpu.pipeline_mode<synchronous>, transform_indices = @transform_15, window_bounds = array<i64: 1, 64>}, {pipeline_mode = #tpu.pipeline_mode<synchronous>, transform_indices = @transform_16, window_bounds = array<i64: 1, 64>}, {transform_indices = @transform_17, window_bounds = array<i64: 4096, 64>}]} {
    %eq3A = arith.constant 0 : i32
    %eq3A_0 = arith.cmpi eq, %arg0, %eq3A : i32
    %eq3A_1 = arith.constant 0 : i32
    %eq3A_2 = arith.cmpi eq, %arg1, %eq3A_1 : i32
    %and3A = arith.andi %eq3A_0, %eq3A_2 : i1
    %convert_element_type3A = arith.extui %and3A : i1 to i32
    %cond3A = arith.constant 0 : i32
    %cond3A_3 = arith.cmpi ne, %convert_element_type3A, %cond3A : i32
    scf.if %cond3A_3 {
      %broadcast_in_dim3A = arith.constant 0.000000e+00 : f32
      %broadcast_in_dim3A_14 = vector.broadcast %broadcast_in_dim3A : f32 to vector<2x64xf32>
      %swap3A = arith.constant 0 : index
      %swap3A_15 = arith.constant 0 : index
      %swap3A_16 = vector.load %arg21[%swap3A, %swap3A_15] : memref<2x64xf32, #tpu.memory_space<vmem>>, vector<2x64xf32>
      tpu.vector_store %arg21[%swap3A, %swap3A_15], %broadcast_in_dim3A_14 {strides = array<i32>} : memref<2x64xf32, #tpu.memory_space<vmem>>, vector<2x64xf32>,
      %iota3A = tpu.iota {dimensions = array<i32: 1>} : vector<4x32xi32>
      %jit3A = arith.constant 8 : i32
      %div3A = vector.broadcast %jit3A : i32 to vector<4x32xi32>
      %div3A_17 = arith.divsi %iota3A, %div3A : vector<4x32xi32>
      %sign3A = arith.constant 0 : i32
      %sign3A_18 = vector.broadcast %sign3A : i32 to vector<4x32xi32>
      %sign3A_19 = arith.cmpi sgt, %iota3A, %sign3A_18 : vector<4x32xi32>
      %sign3A_20 = arith.extui %sign3A_19 : vector<4x32xi1> to vector<4x32xi32>
      %sign3A_21 = arith.constant 0 : i32
      %sign3A_22 = vector.broadcast %sign3A_21 : i32 to vector<4x32xi32>
      %sign3A_23 = arith.cmpi slt, %iota3A, %sign3A_22 : vector<4x32xi32>
      %sign3A_24 = arith.extui %sign3A_23 : vector<4x32xi1> to vector<4x32xi32>
      %sign3A_25 = arith.subi %sign3A_20, %sign3A_24 : vector<4x32xi32>
      %sign3A_26 = arith.constant 0 : i32
      %sign3A_27 = arith.cmpi sgt, %jit3A, %sign3A_26 : i32
      %sign3A_28 = arith.extui %sign3A_27 : i1 to i32
      %sign3A_29 = arith.constant 0 : i32
      %sign3A_30 = arith.cmpi slt, %jit3A, %sign3A_29 : i32
      %sign3A_31 = arith.extui %sign3A_30 : i1 to i32
      %sign3A_32 = arith.subi %sign3A_28, %sign3A_31 : i32
      %ne3A = vector.broadcast %sign3A_32 : i32 to vector<4x32xi32>
      %ne3A_33 = arith.cmpi ne, %sign3A_25, %ne3A : vector<4x32xi32>
      %rem3A = vector.broadcast %jit3A : i32 to vector<4x32xi32>
      %rem3A_34 = arith.remsi %iota3A, %rem3A : vector<4x32xi32>
      %ne3A_35 = arith.constant 0 : i32
      %ne3A_36 = vector.broadcast %ne3A_35 : i32 to vector<4x32xi32>
      %ne3A_37 = arith.cmpi ne, %rem3A_34, %ne3A_36 : vector<4x32xi32>
      %and3A_38 = arith.andi %ne3A_33, %ne3A_37 : vector<4x32xi1>
      %sub3A = arith.constant 1 : i32
      %sub3A_39 = vector.broadcast %sub3A : i32 to vector<4x32xi32>
      %sub3A_40 = arith.subi %div3A_17, %sub3A_39 : vector<4x32xi32>
      %select_n3A = arith.select %and3A_38, %sub3A_40, %div3A_17 : vector<4x32xi1>, vector<4x32xi32>
      %iota3A_41 = tpu.iota {dimensions = array<i32: 0>} : vector<4x32xi32>
      %eq3A_42 = arith.cmpi eq, %select_n3A, %iota3A_41 : vector<4x32xi32>
      %convert_element_type3A_43 = arith.extui %eq3A_42 : vector<4x32xi1> to vector<4x32xi32>
      %convert_element_type3A_44 = arith.sitofp %convert_element_type3A_43 : vector<4x32xi32> to vector<4x32xf32>
      %get3A = arith.constant 0 : index
      %get3A_45 = arith.constant 0 : index
      %get3A_46 = vector.load %arg4[%get3A, %get3A_45] : memref<32x64xf32, #tpu.memory_space<vmem>>, vector<32x64xf32>
      %dot_general3A = arith.constant dense<0.000000e+00> : vector<4x64xf32>
      %dot_general3A_47 = tpu.matmul %convert_element_type3A_44, %get3A_46, %dot_general3A {dimension_numbers = #tpu.dot_dimension_numbers<[1], [0], [0], [1], [0, 0, 1, 1], [], []>, transpose_lhs_hint = false} : vector<4x32xf32>, vector<32x64xf32>, vector<4x64xf32> -> vector<4x64xf32>
      %mul3A = arith.constant 2.44140625E-4 : f32
      %mul3A_48 = vector.broadcast %mul3A : f32 to vector<4x64xf32>
      %mul3A_49 = arith.mulf %dot_general3A_47, %mul3A_48 : vector<4x64xf32>
      %get3A_50 = arith.constant 0 : index
      %get3A_51 = arith.constant 0 : index
      %get3A_52 = vector.load %arg5[%get3A_50, %get3A_51] : memref<64x16xf32, #tpu.memory_space<vmem>>, vector<64x16xf32>
      %dot_general3A_53 = arith.constant dense<0.000000e+00> : vector<4x16xf32>
      %dot_general3A_54 = tpu.matmul %mul3A_49, %get3A_52, %dot_general3A_53 {dimension_numbers = #tpu.dot_dimension_numbers<[1], [0], [0], [1], [0, 0, 1, 1], [], []>, transpose_lhs_hint = false} : vector<4x64xf32>, vector<64x16xf32>, vector<4x16xf32> -> vector<4x16xf32>
      %get3A_55 = arith.constant 0 : index
      %get3A_56 = arith.constant 0 : index
      %get3A_57 = vector.load %arg6[%get3A_55, %get3A_56] : memref<1x16xf32, #tpu.memory_space<vmem>>, vector<1x16xf32>
      %add3A = vector.broadcast %get3A_57 : vector<1x16xf32> to vector<4x16xf32>
      %add3A_58 = arith.addf %dot_general3A_54, %add3A : vector<4x16xf32>
      %max3A = arith.constant 0.000000e+00 : f32
      %max3A_59 = vector.broadcast %max3A : f32 to vector<4x16xf32>
      %max3A_60 = arith.maximumf %add3A_58, %max3A_59 : vector<4x16xf32>
      %get3A_61 = arith.constant 0 : index
      %get3A_62 = arith.constant 0 : index
      %get3A_63 = vector.load %arg7[%get3A_61, %get3A_62] : memref<16x64xf32, #tpu.memory_space<vmem>>, vector<16x64xf32>
      %dot_general3A_64 = arith.constant dense<0.000000e+00> : vector<4x64xf32>
      %dot_general3A_65 = tpu.matmul %max3A_60, %get3A_63, %dot_general3A_64 {dimension_numbers = #tpu.dot_dimension_numbers<[1], [0], [0], [1], [0, 0, 1, 1], [], []>, transpose_lhs_hint = false} : vector<4x16xf32>, vector<16x64xf32>, vector<4x64xf32> -> vector<4x64xf32>
      %get3A_66 = arith.constant 0 : index
      %get3A_67 = arith.constant 0 : index
      %get3A_68 = vector.load %arg8[%get3A_66, %get3A_67] : memref<1x64xf32, #tpu.memory_space<vmem>>, vector<1x64xf32>
      %add3A_69 = vector.broadcast %get3A_68 : vector<1x64xf32> to vector<4x64xf32>
      %add3A_70 = arith.addf %dot_general3A_65, %add3A_69 : vector<4x64xf32>
      %neg3A = arith.constant 0.000000e+00 : f32
      %neg3A_71 = vector.broadcast %neg3A : f32 to vector<4x64xf32>
      %neg3A_72 = arith.subf %neg3A_71, %add3A_70 : vector<4x64xf32>
      %exp3A = math.exp %neg3A_72 : vector<4x64xf32>
      %add3A_73 = arith.constant 1.000000e+00 : f32
      %add3A_74 = vector.broadcast %add3A_73 : f32 to vector<4x64xf32>
      %add3A_75 = arith.addf %add3A_74, %exp3A : vector<4x64xf32>
      %div3A_76 = arith.constant 1.000000e+00 : f32
      %div3A_77 = vector.broadcast %div3A_76 : f32 to vector<4x64xf32>
      %div3A_78 = arith.divf %div3A_77, %add3A_75 : vector<4x64xf32>
      %transpose3A = tpu.transpose %div3A_78, [1, 0] : vector<4x64xf32> -> vector<64x4xf32>
      %swap3A_79 = arith.constant 0 : index
      %swap3A_80 = arith.constant 0 : index
      %swap3A_81 = vector.load %arg22[%swap3A_79, %swap3A_80] : memref<64x8xf32, #tpu.memory_space<vmem>>, vector<64x4xf32>
      tpu.vector_store %arg22[%swap3A_79, %swap3A_80], %transpose3A {strides = array<i32>} : memref<64x8xf32, #tpu.memory_space<vmem>>, vector<64x4xf32>,
    } else {
    }
    %eq3A_4 = arith.constant 0 : i32
    %eq3A_5 = arith.cmpi eq, %arg0, %eq3A_4 : i32
    %convert_element_type3A_6 = arith.extui %eq3A_5 : i1 to i32
    %cond3A_7 = arith.constant 0 : i32
    %cond3A_8 = arith.cmpi ne, %convert_element_type3A_6, %cond3A_7 : i32
    scf.if %cond3A_8 {
      %get3A = arith.constant 0 : index
      %get3A_14 = arith.constant 0 : index
      %get3A_15 = vector.load %arg2[%get3A, %get3A_14] : memref<4096x64xf32, #tpu.memory_space<vmem>>, vector<4096x64xf32>
      %jit3A = arith.constant 1 : i32
      %div3A = arith.divsi %arg1, %jit3A : i32
      %sign3A = arith.constant 0 : i32
      %sign3A_16 = arith.cmpi sgt, %arg1, %sign3A : i32
      %sign3A_17 = arith.extui %sign3A_16 : i1 to i32
      %sign3A_18 = arith.constant 0 : i32
      %sign3A_19 = arith.cmpi slt, %arg1, %sign3A_18 : i32
      %sign3A_20 = arith.extui %sign3A_19 : i1 to i32
      %sign3A_21 = arith.subi %sign3A_17, %sign3A_20 : i32
      %sign3A_22 = arith.constant 0 : i32
      %sign3A_23 = arith.cmpi sgt, %jit3A, %sign3A_22 : i32
      %sign3A_24 = arith.extui %sign3A_23 : i1 to i32
      %sign3A_25 = arith.constant 0 : i32
      %sign3A_26 = arith.cmpi slt, %jit3A, %sign3A_25 : i32
      %sign3A_27 = arith.extui %sign3A_26 : i1 to i32
      %sign3A_28 = arith.subi %sign3A_24, %sign3A_27 : i32
      %ne3A = arith.cmpi ne, %sign3A_21, %sign3A_28 : i32
      %rem3A = arith.remsi %arg1, %jit3A : i32
      %ne3A_29 = arith.constant 0 : i32
      %ne3A_30 = arith.cmpi ne, %rem3A, %ne3A_29 : i32
      %and3A_31 = arith.andi %ne3A, %ne3A_30 : i1
      %sub3A = arith.constant 1 : i32
      %sub3A_32 = arith.subi %div3A, %sub3A : i32
      %select_n3A = arith.select %and3A_31, %sub3A_32, %div3A : i32
      %iota3A = tpu.iota {dimensions = array<i32: 1>} : vector<1x4xi32>
      %eq3A_33 = vector.broadcast %select_n3A : i32 to vector<1x4xi32>
      %eq3A_34 = arith.cmpi eq, %iota3A, %eq3A_33 : vector<1x4xi32>
      %get3A_35 = arith.constant 0 : index
      %get3A_36 = arith.constant 0 : index
      %get3A_37 = vector.load %arg22[%get3A_35, %get3A_36] : memref<64x8xf32, #tpu.memory_space<vmem>>, vector<64x4xf32>
      %jit3A_38 = arith.constant 0.000000e+00 : f32
      %broadcast_in_dim3A = vector.shape_cast %eq3A_34 : vector<1x4xi1> to vector<1x4xi1>
      %broadcast_in_dim3A_39 = vector.broadcast %broadcast_in_dim3A : vector<1x4xi1> to vector<64x4xi1>
      %broadcast_in_dim3A_40 = vector.broadcast %jit3A_38 : f32 to vector<64x4xf32>
      %select_n3A_41 = arith.select %broadcast_in_dim3A_39, %get3A_37, %broadcast_in_dim3A_40 : vector<64x4xi1>, vector<64x4xf32>
      %reduce_sum3A = arith.constant dense<0.000000e+00> : vector<64xf32>
      %reduce_sum3A_42 = vector.multi_reduction <add>, %select_n3A_41, %reduce_sum3A [1] : vector<64x4xf32> to vector<64xf32>
      %broadcast_in_dim3A_43 = vector.shape_cast %reduce_sum3A_42 : vector<64xf32> to vector<64x1xf32>
      %get3A_44 = arith.constant 0 : index
      %get3A_45 = arith.constant 0 : index
      %get3A_46 = vector.load %arg9[%get3A_44, %get3A_45] : memref<64x64xf32, #tpu.memory_space<vmem>>, vector<64x64xf32>
      %mul3A = vector.broadcast %broadcast_in_dim3A_43 : vector<64x1xf32> to vector<64x64xf32>
      %mul3A_47 = arith.mulf %mul3A, %get3A_46 : vector<64x64xf32>
      %get3A_48 = arith.constant 0 : index
      %get3A_49 = arith.constant 0 : index
      %get3A_50 = vector.load %arg15[%get3A_48, %get3A_49] : memref<64x64xf32, #tpu.memory_space<vmem>>, vector<64x64xf32>
      %mul3A_51 = vector.broadcast %broadcast_in_dim3A_43 : vector<64x1xf32> to vector<64x64xf32>
      %mul3A_52 = arith.mulf %mul3A_51, %get3A_50 : vector<64x64xf32>
      %dot_general3A = arith.constant dense<0.000000e+00> : vector<4096x64xf32>
      %dot_general3A_53 = tpu.matmul %get3A_15, %mul3A_47, %dot_general3A {dimension_numbers = #tpu.dot_dimension_numbers<[1], [0], [0], [1], [0, 0, 1, 1], [], []>, transpose_lhs_hint = false} : vector<4096x64xf32>, vector<64x64xf32>, vector<4096x64xf32> -> vector<4096x64xf32>
      %get3A_54 = arith.constant 0 : index
      %get3A_55 = arith.constant 0 : index
      %get3A_56 = vector.load %arg3[%get3A_54, %get3A_55] : memref<4096x3xf32, #tpu.memory_space<vmem>>, vector<4096x3xf32>
      %get3A_57 = arith.constant 0 : index
      %get3A_58 = arith.constant 0 : index
      %get3A_59 = vector.load %arg10[%get3A_57, %get3A_58] : memref<3x64xf32, #tpu.memory_space<vmem>>, vector<3x64xf32>
      %dot_general3A_60 = arith.constant dense<0.000000e+00> : vector<4096x64xf32>
      %dot_general3A_61 = tpu.matmul %get3A_56, %get3A_59, %dot_general3A_60 {dimension_numbers = #tpu.dot_dimension_numbers<[1], [0], [0], [1], [0, 0, 1, 1], [], []>, transpose_lhs_hint = false} : vector<4096x3xf32>, vector<3x64xf32>, vector<4096x64xf32> -> vector<4096x64xf32>
      %add3A = arith.addf %dot_general3A_53, %dot_general3A_61 : vector<4096x64xf32>
      %get3A_62 = arith.constant 0 : index
      %get3A_63 = arith.constant 0 : index
      %get3A_64 = vector.load %arg11[%get3A_62, %get3A_63] : memref<1x64xf32, #tpu.memory_space<vmem>>, vector<1x64xf32>
      %add3A_65 = vector.broadcast %get3A_64 : vector<1x64xf32> to vector<4096x64xf32>
      %add3A_66 = arith.addf %add3A, %add3A_65 : vector<4096x64xf32>
      %max3A = arith.constant 0.000000e+00 : f32
      %max3A_67 = vector.broadcast %max3A : f32 to vector<4096x64xf32>
      %max3A_68 = arith.maximumf %add3A_66, %max3A_67 : vector<4096x64xf32>
      %get3A_69 = arith.constant 0 : index
      %get3A_70 = arith.constant 0 : index
      %get3A_71 = vector.load %arg12[%get3A_69, %get3A_70] : memref<64x1xf32, #tpu.memory_space<vmem>>, vector<64x1xf32>
      %dot_general3A_72 = arith.constant dense<0.000000e+00> : vector<4096x1xf32>
      %dot_general3A_73 = tpu.matmul %max3A_68, %get3A_71, %dot_general3A_72 {dimension_numbers = #tpu.dot_dimension_numbers<[1], [0], [0], [1], [0, 0, 1, 1], [], []>, transpose_lhs_hint = false} : vector<4096x64xf32>, vector<64x1xf32>, vector<4096x1xf32> -> vector<4096x1xf32>
      %get3A_74 = arith.constant 0 : index
      %get3A_75 = arith.constant 0 : index
      %get3A_76 = vector.load %arg13[%get3A_74, %get3A_75] : memref<1x1xf32, #tpu.memory_space<vmem>>, vector<1x1xf32>
      %add3A_77 = vector.broadcast %get3A_76 : vector<1x1xf32> to vector<4096x1xf32>
      %add3A_78 = arith.addf %dot_general3A_73, %add3A_77 : vector<4096x1xf32>
      %neg3A = arith.constant 0.000000e+00 : f32
      %neg3A_79 = vector.broadcast %neg3A : f32 to vector<4096x1xf32>
      %neg3A_80 = arith.subf %neg3A_79, %add3A_78 : vector<4096x1xf32>
      %exp3A = math.exp %neg3A_80 : vector<4096x1xf32>
      %add3A_81 = arith.constant 1.000000e+00 : f32
      %add3A_82 = vector.broadcast %add3A_81 : f32 to vector<4096x1xf32>
      %add3A_83 = arith.addf %add3A_82, %exp3A : vector<4096x1xf32>
      %div3A_84 = arith.constant 1.000000e+00 : f32
      %div3A_85 = vector.broadcast %div3A_84 : f32 to vector<4096x1xf32>
      %div3A_86 = arith.divf %div3A_85, %add3A_83 : vector<4096x1xf32>
      %get3A_87 = arith.constant 0 : index
      %get3A_88 = arith.constant 0 : index
      %get3A_89 = vector.load %arg14[%get3A_87, %get3A_88] : memref<64x64xf32, #tpu.memory_space<vmem>>, vector<64x64xf32>
      %dot_general3A_90 = arith.constant dense<0.000000e+00> : vector<4096x64xf32>
      %dot_general3A_91 = tpu.matmul %get3A_15, %get3A_89, %dot_general3A_90 {dimension_numbers = #tpu.dot_dimension_numbers<[1], [0], [0], [1], [0, 0, 1, 1], [], []>, transpose_lhs_hint = false} : vector<4096x64xf32>, vector<64x64xf32>, vector<4096x64xf32> -> vector<4096x64xf32>
      %dot_general3A_92 = arith.constant dense<0.000000e+00> : vector<4096x64xf32>
      %dot_general3A_93 = tpu.matmul %get3A_15, %mul3A_52, %dot_general3A_92 {dimension_numbers = #tpu.dot_dimension_numbers<[1], [0], [0], [1], [0, 0, 1, 1], [], []>, transpose_lhs_hint = false} : vector<4096x64xf32>, vector<64x64xf32>, vector<4096x64xf32> -> vector<4096x64xf32>
      %mul3A_94 = vector.broadcast %div3A_86 : vector<4096x1xf32> to vector<4096x64xf32>
      %mul3A_95 = arith.mulf %mul3A_94, %dot_general3A_93 : vector<4096x64xf32>
      %add3A_96 = arith.addf %dot_general3A_91, %mul3A_95 : vector<4096x64xf32>
      %get3A_97 = arith.constant 0 : index
      %get3A_98 = arith.constant 0 : index
      %get3A_99 = vector.load %arg16[%get3A_97, %get3A_98] : memref<1x64xf32, #tpu.memory_space<vmem>>, vector<1x64xf32>
      %add3A_100 = vector.broadcast %get3A_99 : vector<1x64xf32> to vector<4096x64xf32>
      %add3A_101 = arith.addf %add3A_96, %add3A_100 : vector<4096x64xf32>
      %mul3A_102 = arith.constant 4096 : i32
      %mul3A_103 = arith.muli %arg1, %mul3A_102 : i32
      %swap3A = arith.index_cast %mul3A_103 : i32 to index
      %swap3A_104 = arith.constant 0 : index
      %swap3A_105 = vector.load %arg20[%swap3A, %swap3A_104] : memref<16384x64xf32, #tpu.memory_space<vmem>>, vector<4096x64xf32>
      tpu.vector_store %arg20[%swap3A, %swap3A_104], %add3A_101 {strides = array<i32>} : memref<16384x64xf32, #tpu.memory_space<vmem>>, vector<4096x64xf32>,
      %broadcast_in_dim3A_106 = arith.constant 1.000000e+00 : f32
      %broadcast_in_dim3A_107 = vector.broadcast %broadcast_in_dim3A_106 : f32 to vector<1x4096xf32>
      %get3A_108 = arith.constant 0 : index
      %get3A_109 = arith.constant 0 : index
      %get3A_110 = vector.load %arg21[%get3A_108, %get3A_109] : memref<2x64xf32, #tpu.memory_space<vmem>>, vector<1x64xf32>
      %dot_general3A_111 = arith.constant dense<0.000000e+00> : vector<1x64xf32>
      %dot_general3A_112 = tpu.matmul %broadcast_in_dim3A_107, %add3A_101, %dot_general3A_111 {dimension_numbers = #tpu.dot_dimension_numbers<[1], [0], [0], [1], [0, 0, 1, 1], [], []>, transpose_lhs_hint = false} : vector<1x4096xf32>, vector<4096x64xf32>, vector<1x64xf32> -> vector<1x64xf32>
      %add3A_113 = arith.addf %get3A_110, %dot_general3A_112 : vector<1x64xf32>
      %swap3A_114 = arith.constant 0 : index
      %swap3A_115 = arith.constant 0 : index
      %swap3A_116 = vector.load %arg21[%swap3A_114, %swap3A_115] : memref<2x64xf32, #tpu.memory_space<vmem>>, vector<1x64xf32>
      tpu.vector_store %arg21[%swap3A_114, %swap3A_115], %add3A_113 {strides = array<i32>} : memref<2x64xf32, #tpu.memory_space<vmem>>, vector<1x64xf32>,
      %get3A_117 = arith.constant 1 : index
      %get3A_118 = arith.constant 0 : index
      %get3A_119 = vector.load %arg21[%get3A_117, %get3A_118] : memref<2x64xf32, #tpu.memory_space<vmem>>, vector<1x64xf32>
      %mul3A_120 = arith.mulf %add3A_101, %add3A_101 : vector<4096x64xf32>
      %dot_general3A_121 = arith.constant dense<0.000000e+00> : vector<1x64xf32>
      %dot_general3A_122 = tpu.matmul %broadcast_in_dim3A_107, %mul3A_120, %dot_general3A_121 {dimension_numbers = #tpu.dot_dimension_numbers<[1], [0], [0], [1], [0, 0, 1, 1], [], []>, transpose_lhs_hint = false} : vector<1x4096xf32>, vector<4096x64xf32>, vector<1x64xf32> -> vector<1x64xf32>
      %add3A_123 = arith.addf %get3A_119, %dot_general3A_122 : vector<1x64xf32>
      %swap3A_124 = arith.constant 1 : index
      %swap3A_125 = arith.constant 0 : index
      %swap3A_126 = vector.load %arg21[%swap3A_124, %swap3A_125] : memref<2x64xf32, #tpu.memory_space<vmem>>, vector<1x64xf32>
      tpu.vector_store %arg21[%swap3A_124, %swap3A_125], %add3A_123 {strides = array<i32>} : memref<2x64xf32, #tpu.memory_space<vmem>>, vector<1x64xf32>,
    } else {
    }
    %eq3A_9 = arith.constant 1 : i32
    %eq3A_10 = arith.cmpi eq, %arg0, %eq3A_9 : i32
    %convert_element_type3A_11 = arith.extui %eq3A_10 : i1 to i32
    %cond3A_12 = arith.constant 0 : i32
    %cond3A_13 = arith.cmpi ne, %convert_element_type3A_11, %cond3A_12 : i32
    scf.if %cond3A_13 {
      %get3A = arith.constant 0 : index
      %get3A_14 = arith.constant 0 : index
      %get3A_15 = vector.load %arg21[%get3A, %get3A_14] : memref<2x64xf32, #tpu.memory_space<vmem>>, vector<1x64xf32>
      %mul3A = arith.constant 6.10351563E-5 : f32
      %mul3A_16 = vector.broadcast %mul3A : f32 to vector<1x64xf32>
      %mul3A_17 = arith.mulf %get3A_15, %mul3A_16 : vector<1x64xf32>
      %get3A_18 = arith.constant 1 : index
      %get3A_19 = arith.constant 0 : index
      %get3A_20 = vector.load %arg21[%get3A_18, %get3A_19] : memref<2x64xf32, #tpu.memory_space<vmem>>, vector<1x64xf32>
      %mul3A_21 = arith.constant 6.10351563E-5 : f32
      %mul3A_22 = vector.broadcast %mul3A_21 : f32 to vector<1x64xf32>
      %mul3A_23 = arith.mulf %get3A_20, %mul3A_22 : vector<1x64xf32>
      %mul3A_24 = arith.mulf %mul3A_17, %mul3A_17 : vector<1x64xf32>
      %sub3A = arith.subf %mul3A_23, %mul3A_24 : vector<1x64xf32>
      %add3A = arith.constant 9.99999974E-6 : f32
      %add3A_25 = vector.broadcast %add3A : f32 to vector<1x64xf32>
      %add3A_26 = arith.addf %sub3A, %add3A_25 : vector<1x64xf32>
      %rsqrt3A = math.rsqrt %add3A_26 : vector<1x64xf32>
      %mul3A_27 = arith.constant 4096 : i32
      %mul3A_28 = arith.muli %arg1, %mul3A_27 : i32
      %get3A_29 = arith.index_cast %mul3A_28 : i32 to index
      %get3A_30 = arith.constant 0 : index
      %get3A_31 = vector.load %arg20[%get3A_29, %get3A_30] : memref<16384x64xf32, #tpu.memory_space<vmem>>, vector<4096x64xf32>
      %sub3A_32 = vector.broadcast %mul3A_17 : vector<1x64xf32> to vector<4096x64xf32>
      %sub3A_33 = arith.subf %get3A_31, %sub3A_32 : vector<4096x64xf32>
      %mul3A_34 = vector.broadcast %rsqrt3A : vector<1x64xf32> to vector<4096x64xf32>
      %mul3A_35 = arith.mulf %sub3A_33, %mul3A_34 : vector<4096x64xf32>
      %get3A_36 = arith.constant 0 : index
      %get3A_37 = arith.constant 0 : index
      %get3A_38 = vector.load %arg17[%get3A_36, %get3A_37] : memref<1x64xf32, #tpu.memory_space<vmem>>, vector<1x64xf32>
      %mul3A_39 = vector.broadcast %get3A_38 : vector<1x64xf32> to vector<4096x64xf32>
      %mul3A_40 = arith.mulf %mul3A_35, %mul3A_39 : vector<4096x64xf32>
      %get3A_41 = arith.constant 0 : index
      %get3A_42 = arith.constant 0 : index
      %get3A_43 = vector.load %arg18[%get3A_41, %get3A_42] : memref<1x64xf32, #tpu.memory_space<vmem>>, vector<1x64xf32>
      %add3A_44 = vector.broadcast %get3A_43 : vector<1x64xf32> to vector<4096x64xf32>
      %add3A_45 = arith.addf %mul3A_40, %add3A_44 : vector<4096x64xf32>
      %max3A = arith.constant 0.000000e+00 : f32
      %max3A_46 = vector.broadcast %max3A : f32 to vector<4096x64xf32>
      %max3A_47 = arith.maximumf %add3A_45, %max3A_46 : vector<4096x64xf32>
      %swap3A = arith.constant 0 : index
      %swap3A_48 = arith.constant 0 : index
      %swap3A_49 = vector.load %arg19[%swap3A, %swap3A_48] : memref<4096x64xf32, #tpu.memory_space<vmem>>, vector<4096x64xf32>
      tpu.vector_store %arg19[%swap3A, %swap3A_48], %max3A_47 {strides = array<i32>} : memref<4096x64xf32, #tpu.memory_space<vmem>>, vector<4096x64xf32>,
    } else {
    }
    return
  }
  func.func @transform_0(%arg0: i32, %arg1: i32) -> (i32, i32) {
    %sub3A = arith.constant 1 : i32
    %sub3A_0 = arith.subi %sub3A, %arg0 : i32
    %mul3A = arith.muli %sub3A_0, %arg1 : i32
    %c0_i32 = arith.constant 0 : i32
    %c0_i32_1 = arith.constant 0 : i32
    return %mul3A, %c0_i32 : i32, i32
  }
  func.func @transform_1(%arg0: i32, %arg1: i32) -> (i32, i32) {
    %sub3A = arith.constant 1 : i32
    %sub3A_0 = arith.subi %sub3A, %arg0 : i32
    %mul3A = arith.muli %sub3A_0, %arg1 : i32
    %c0_i32 = arith.constant 0 : i32
    %c0_i32_1 = arith.constant 0 : i32
    return %mul3A, %c0_i32 : i32, i32
  }
  func.func @transform_2(%arg0: i32, %arg1: i32) -> (i32, i32) {
    %c0_i32 = arith.constant 0 : i32
    %c0_i32_0 = arith.constant 0 : i32
    %c0_i32_1 = arith.constant 0 : i32
    return %c0_i32, %c0_i32_0 : i32, i32
  }
  func.func @transform_3(%arg0: i32, %arg1: i32) -> (i32, i32) {
    %c0_i32 = arith.constant 0 : i32
    %c0_i32_0 = arith.constant 0 : i32
    %c0_i32_1 = arith.constant 0 : i32
    return %c0_i32, %c0_i32_0 : i32, i32
  }
  func.func @transform_4(%arg0: i32, %arg1: i32) -> (i32, i32) {
    %c0_i32 = arith.constant 0 : i32
    %c0_i32_0 = arith.constant 0 : i32
    %c0_i32_1 = arith.constant 0 : i32
    return %c0_i32, %c0_i32_0 : i32, i32
  }
  func.func @transform_5(%arg0: i32, %arg1: i32) -> (i32, i32) {
    %c0_i32 = arith.constant 0 : i32
    %c0_i32_0 = arith.constant 0 : i32
    %c0_i32_1 = arith.constant 0 : i32
    return %c0_i32, %c0_i32_0 : i32, i32
  }
  func.func @transform_6(%arg0: i32, %arg1: i32) -> (i32, i32) {
    %c0_i32 = arith.constant 0 : i32
    %c0_i32_0 = arith.constant 0 : i32
    %c0_i32_1 = arith.constant 0 : i32
    return %c0_i32, %c0_i32_0 : i32, i32
  }
  func.func @transform_7(%arg0: i32, %arg1: i32) -> (i32, i32) {
    %c0_i32 = arith.constant 0 : i32
    %c0_i32_0 = arith.constant 0 : i32
    %c0_i32_1 = arith.constant 0 : i32
    return %c0_i32, %c0_i32_0 : i32, i32
  }
  func.func @transform_8(%arg0: i32, %arg1: i32) -> (i32, i32) {
    %c0_i32 = arith.constant 0 : i32
    %c0_i32_0 = arith.constant 0 : i32
    %c0_i32_1 = arith.constant 0 : i32
    return %c0_i32, %c0_i32_0 : i32, i32
  }
  func.func @transform_9(%arg0: i32, %arg1: i32) -> (i32, i32) {
    %c0_i32 = arith.constant 0 : i32
    %c0_i32_0 = arith.constant 0 : i32
    %c0_i32_1 = arith.constant 0 : i32
    return %c0_i32, %c0_i32_0 : i32, i32
  }
  func.func @transform_10(%arg0: i32, %arg1: i32) -> (i32, i32) {
    %c0_i32 = arith.constant 0 : i32
    %c0_i32_0 = arith.constant 0 : i32
    %c0_i32_1 = arith.constant 0 : i32
    return %c0_i32, %c0_i32_0 : i32, i32
  }
  func.func @transform_11(%arg0: i32, %arg1: i32) -> (i32, i32) {
    %c0_i32 = arith.constant 0 : i32
    %c0_i32_0 = arith.constant 0 : i32
    %c0_i32_1 = arith.constant 0 : i32
    return %c0_i32, %c0_i32_0 : i32, i32
  }
  func.func @transform_12(%arg0: i32, %arg1: i32) -> (i32, i32) {
    %c0_i32 = arith.constant 0 : i32
    %c0_i32_0 = arith.constant 0 : i32
    %c0_i32_1 = arith.constant 0 : i32
    return %c0_i32, %c0_i32_0 : i32, i32
  }
  func.func @transform_13(%arg0: i32, %arg1: i32) -> (i32, i32) {
    %c0_i32 = arith.constant 0 : i32
    %c0_i32_0 = arith.constant 0 : i32
    %c0_i32_1 = arith.constant 0 : i32
    return %c0_i32, %c0_i32_0 : i32, i32
  }
  func.func @transform_14(%arg0: i32, %arg1: i32) -> (i32, i32) {
    %c0_i32 = arith.constant 0 : i32
    %c0_i32_0 = arith.constant 0 : i32
    %c0_i32_1 = arith.constant 0 : i32
    return %c0_i32, %c0_i32_0 : i32, i32
  }
  func.func @transform_15(%arg0: i32, %arg1: i32) -> (i32, i32) {
    %c0_i32 = arith.constant 0 : i32
    %c0_i32_0 = arith.constant 0 : i32
    %c0_i32_1 = arith.constant 0 : i32
    return %c0_i32, %c0_i32_0 : i32, i32
  }
  func.func @transform_16(%arg0: i32, %arg1: i32) -> (i32, i32) {
    %c0_i32 = arith.constant 0 : i32
    %c0_i32_0 = arith.constant 0 : i32
    %c0_i32_1 = arith.constant 0 : i32
    return %c0_i32, %c0_i32_0 : i32, i32
  }
  func.func @transform_17(%arg0: i32, %arg1: i32) -> (i32, i32) {
    %mul3A = arith.muli %arg0, %arg1 : i32
    %c0_i32 = arith.constant 0 : i32
    %c0_i32_0 = arith.constant 0 : i32
    return %mul3A, %c0_i32 : i32, i32
  }
}

</mosaic_0001>

<sc_bundles>
// kernel: kernel.5.cloned.1.call-start
scs
__scs_entry_jumppad:
0x0: {  	(pc) =	sbr.rel $0x88, $3  }
0x1: {  	(tag) =	ssettag $0x0;
	lr =	simm.s32 $0x1  }
0x2: {  	[smem:$0x3F91] =	sst lr;
	_ =	strace $0xD0000000  }
0x3: {  	_ = 	snop  }
0x4: {  	_ = 	snop  }
0x5: {  	_ = 	snop  }
0x6: {  	_ = 	snop  }
0x7: {  	_ = 	snop  }
__scs_overlays_trampoline_lowered:
0x8: {  	[smem:$0x3FA0] =	sst s0  }
0x9: {  	[smem:$0x3FA1] =	sst s1  }
0xa: {  	[smem:$0x3FA2] =	sst s2  }
0xb: {  	[smem:$0x3FA3] =	sst s3  }
0xc: {  	[smem:$0x3FA4] =	sst s4  }
0xd: {  	[smem:$0x3FA5] =	sst s5  }
0xe: {  	[smem:$0x3FA6] =	sst s6  }
0xf: {  	[smem:$0x3FA7] =	sst s7  }
0x10: {  	[smem:$0x3FA8] =	sst s8  }
0x11: {  	[smem:$0x3FA9] =	sst s9;
	s0 =	simm.s32 @!p0 $0x0  }
0x12: {  	s1 =	sld [smem:$0x3F8F];
	s0 =	simm.s32 @p0 $0x1  }
0x13: {  	[smem:$0x3FAA] =	sst s0;
	s0 =	simm.s32 @!p1 $0x0  }
0x14: {  	s2 =	sld [smem:$0x3F8E];
	s0 =	simm.s32 @p1 $0x1  }
0x15: {  	[smem:$0x3FAB] =	sst s0;
	s0 =	simm.s32 @!p2 $0x0  }
0x16: {  	s3 =	sld [smem:$0x3FDB];
	s0 =	simm.s32 @p2 $0x1  }
0x17: {  	s4 =	simm.s32 $0x1BF5;
	[smem:$0x3FAD] =	sst s0  }
0x18: {  	s0 =	sld [smem:$0x3F90];
	_ =	swait.ge [sflag:s4], $0x0  }
0x19: {  	s7 =	sld [smem:$0x3F91]  }
0x1a: {  	s8 =	sadd.s32 $0xFFFFE003, lr  }
0x1b: {  	s9 =	sadd.s32 $0xFFFFFEF7, lr;
	s5 =	simm.s32 $0xFFFFFFFF;
	p2 =	slt.u32 s8, $0xFFFFF086  }
0x1c: {  	p1 =	slt.u32 s9, $0xF7A;
	s5 =	simm.s32 @!p2 $0x0  }
0x1d: {  	s5 =	simm.s32 @p1 $0x1;
	p0 =	seq.s32 s7, s2  }
0x1e: {  	s7 =	smul.u32 @!p0 $0xF7A, s2;
	p2 =	seq.s32 @!p0 s5, $0x0  }
0x1f: {  	s9 =	smul.u32 $0xF7A, s1;
	s8 =	simm.s32 @!p0 $0x1BF5;
	p2 =	por !p2, p0  }
0x20: {  	[sflag:s8] =	ssyncset.s32 @!p0 $0xFFFFF086;
	s6 =	sadd.s32 @!p0 s3, s7;
	s7 =	simm.s32 @!p0 $0x108  }
0x21: {  	s3 =	sadd.s32 s3, s9;
	s6 =	sadd.s32 @!p0 $0x88, s6;
	s7 =	simm.s32 @p2 $0x1082  }
0x22: {  	[simem:s7], [sflag:s8] =	dma.local @!p0 [hbm:s6], $0xF7A  }
0x23: {  	s9 =	sor.u32 $0xD0000000, s2;
	s6 =	simm.s32 $0x108;
	_ =	swait.ge @!p0 [sflag:s8], $0x0  }
0x24: {  	s3 =	sadd.s32 $0x88, s3;
	s6 =	simm.s32 @!p1 $0x1082;
	[sflag:s4] =	ssyncset.s32 $0xFFFFF086  }
0x25: {  	[simem:s6], [sflag:s4] =	dma.local [hbm:s3], $0xF7A  }
0x26: {  	[smem:$0x3F91] =	sst s1;
	(tag) =	ssettag s2;
	_ =	strace s9  }
0x27: {  	s1 =	sld [smem:$0x3FA1]  }
0x28: {  	s2 =	sld [smem:$0x3FA2]  }
0x29: {  	s4 =	sld [smem:$0x3FA4]  }
0x2a: {  	p0 =	seq.s32 s5, $0x0;
	s5 =	sld [smem:$0x3FA5]  }
0x2b: {  	s6 =	sld [smem:$0x3FA6]  }
0x2c: {  	s7 =	sld [smem:$0x3FA7]  }
0x2d: {  	s3 =	simm.s32 $0x108;
	s8 =	sld [smem:$0x3FA8]  }
0x2e: {  	s3 =	simm.s32 @!p0 $0x1082;
	s9 =	sld [smem:$0x3FA9]  }
0x2f: {  	lr =	sadd.s32 s0, s3;
	s0 =	sld [smem:$0x3FA0]  }
0x30: {  	s3 =	sld [smem:$0x3FA3]  }
0x31: {  	[smem:$0x3FAC] =	sst s10  }
0x32: {  	s10 =	sld [smem:$0x3FAA];
	_ =	sdelay $0x3  }
0x33: {  	p0 =	seq.s32 s10, $0x1;
	s10 =	sld [smem:$0x3FAC];
	_ =	sdelay $0x3  }
0x34: {  	[smem:$0x3FAC] =	sst s10  }
0x35: {  	s10 =	sld [smem:$0x3FAB];
	_ =	sdelay $0x3  }
0x36: {  	p1 =	seq.s32 s10, $0x1;
	s10 =	sld [smem:$0x3FAC];
	_ =	sdelay $0x3  }
0x37: {  	[smem:$0x3FAC] =	sst s10  }
0x38: {  	s10 =	sld [smem:$0x3FAD]  }
0x39: {  	_ = 	snop;
	(pc) =	sbr.ind lr, $3  }
0x3a: {  	_ = 	snop  }
0x3b: {  	_ = 	snop  }
0x3c: {  	p2 =	seq.s32 s10, $0x1;
	s10 =	sld [smem:$0x3FAC]  }
0x3d: {  	_ =	shalt  }
0x3e: {  	_ =	shalt  }
0x3f: {  	_ =	shalt  }
0x40: {  	_ =	shalt  }
0x41: {  	_ =	shalt  }
0x42: {  	_ =	shalt  }
0x43: {  	_ =	shalt  }
0x44: {  	_ =	shalt  }
0x45: {  	_ =	shalt  }
0x46: {  	_ =	shalt  }
0x47: {  	_ =	shalt  }
0x48: {  	_ =	shalt  }
0x49: {  	_ =	shalt  }
0x4a: {  	_ =	shalt  }
0x4b: {  	_ =	shalt  }
0x4c: {  	_ =	shalt  }
0x4d: {  	_ =	shalt  }
0x4e: {  	_ =	shalt  }
0x4f: {  	_ =	shalt  }
0x50: {  	_ =	shalt  }
0x51: {  	_ =	shalt  }
0x52: {  	_ =	shalt  }
0x53: {  	_ =	shalt  }
0x54: {  	_ =	shalt  }
0x55: {  	_ =	shalt  }
0x56: {  	_ =	shalt  }
0x57: {  	_ =	shalt  }
0x58: {  	_ =	shalt  }
0x59: {  	_ =	shalt  }
0x5a: {  	_ =	shalt  }
0x5b: {  	_ =	shalt  }
0x5c: {  	_ =	shalt  }
0x5d: {  	_ =	shalt  }
0x5e: {  	_ =	shalt  }
0x5f: {  	_ =	shalt  }
0x60: {  	_ =	shalt  }
0x61: {  	_ =	shalt  }
0x62: {  	_ =	shalt  }
0x63: {  	_ =	shalt  }
0x64: {  	_ =	shalt  }
0x65: {  	_ =	shalt  }
0x66: {  	_ =	shalt  }
0x67: {  	_ =	shalt  }
0x68: {  	_ =	shalt  }
0x69: {  	_ =	shalt  }
0x6a: {  	_ =	shalt  }
0x6b: {  	_ =	shalt  }
0x6c: {  	_ =	shalt  }
0x6d: {  	_ =	shalt  }
0x6e: {  	_ =	shalt  }
0x6f: {  	_ =	shalt  }
0x70: {  	_ =	shalt  }
0x71: {  	_ =	shalt  }
0x72: {  	_ =	shalt  }
0x73: {  	_ =	shalt  }
0x74: {  	_ =	shalt  }
0x75: {  	_ =	shalt  }
0x76: {  	_ =	shalt  }
0x77: {  	_ =	shalt  }
0x78: {  	_ =	shalt  }
0x79: {  	_ =	shalt  }
0x7a: {  	_ =	shalt  }
0x7b: {  	_ =	shalt  }
0x7c: {  	_ =	shalt  }
0x7d: {  	_ =	shalt  }
0x7e: {  	_ =	shalt  }
0x7f: {  	_ =	shalt  }
0x80: {  	_ =	shalt  }
0x81: {  	_ =	shalt  }
0x82: {  	_ =	shalt  }
0x83: {  	_ =	shalt  }
0x84: {  	_ =	shalt  }
0x85: {  	_ =	shalt  }
0x86: {  	_ =	shalt  }
0x87: {  	_ =	shalt  }
.Lfunc_end0:
.L_simem_size_0:
called_computation_lowered:
.L_overlay_start_0:
0x88: {  	s2 =	sld [smem:$0x3FD9]  }
0x89: {  	s3 =	sld [smem:$0x3FFE];
	_ =	sdelay $0x1  }
0x8a: {  	s1 =	srdreg.scid  }
0x8b: {  	s0 =	sand.u32 $0x1, s1  }
0x8c: {  	s17 =	sshll.u32 s0, $0xA;
	s2 =	sadd.s32 s3, s2  }
0x8d: {  	s2 =	sadd.s32 s2, s17  }
0x8e: {  	[smem:$0x3FB8] =	sst s2  }
0x8f: {  	_ = 	snop  }
0x90: {  	s2 =	sld [smem:$0x3FD0];
	(tm) =	ssettm $0x1  }
0x91: {  	s18 =	sld [smem:$0x3FFB];
	_ =	sdelay $0x3  }
0x92: {  	_ =	strace s18  }
0x93: {  	s3 =	sld [smem:$0x3FFC];
	_ =	sdelay $0x3  }
0x94: {  	_ =	strace s3  }
0x95: {  	s3 =	sld [smem:$0x3FFD];
	_ =	sdelay $0x3  }
0x96: {  	_ =	strace s3  }
0x97: {  	_ =	strace $0x8FFFFFFF  }
0x98: {  	s19 =	sld [smem:$0x3FDB];
	_ =	sdelay $0x1  }
0x99: {  	s4 =	simm.s32 $_scs_section_size  }
0x9a: {  	s5 =	simm.s32 $_size__tile_overlayer_lowered;
	s6 =	simm.s32 $_tile_overlayer_lowered  }
0x9b: {  	s22 =	simm.s32 $0x1BFF;
	s21 =	sshll.u32 s6, $0x1;
	s3 =	sadd.s32 s4, s19  }
0x9c: {  	s7 =	simm.s32 $0x0;
	s20 =	sshll.u32 s5, $0x1;
	s5 =	sadd.s32 s21, s3  }
0x9d: {  	[timem:s7], [sflag:s22] =	dma.local [hbm:s5], s20  }
0x9e: {  	_ =	swait.ge [sflag:s22], s20  }
0x9f: {  	s4 =	ssub.s32 $0x0, s20;
	[sflag:s22] =	ssyncset.done $0x0  }
0xa0: {  	[sflag:s22] =	ssyncadd.s32 s4;
	_ =	sdelay $0x1  }
0xa1: {  	s23 =	simm.s32 $0x1B8B  }
0xa2: {  	_ =	swait.ge [sflag:s23], $0x1  }
0xa3: {  	[sflag:s23] =	ssyncset.done $0x0  }
0xa4: {  	s25 =	simm.s32 $0x1B8E;
	s24 =	sld [smem:$0x3FFE];
	[sflag:s23] =	ssyncadd.s32 $0xFFFFFFFF  }
0xa5: {  	s26 =	simm.s32 $execute0_lowered;
	[smem:$0x3FD2] =	sst s25  }
0xa6: {  	s5 =	sshll.u32 s26, $0x1;
	_ =	strace $0x80000046;
	[dreg:$0x1] =	wrdreg $0xFFFFFFFF  }
0xa7: {  	s28 =	simm.s32 $_size_execute0_lowered;
	s3 =	sadd.s32 s3, s5;
	[dreg:$0x0] =	wrdreg $0x0  }
0xa8: {  	s5 =	sshll.u32 s28, $0x1;
	[dreg:$0x2] =	wrdreg s3  }
0xa9: {  	[dreg:$0x3] =	wrdreg s5  }
0xaa: {  	[dreg:$0x4] =	wrdreg $0xC0  }
0xab: {  	_ =	task [dreg:s7], $0x5FFFF  }
0xac: {  	[dreg:$0x1] =	wrdreg $0xFFFFFFFF  }
0xad: {  	[dreg:$0x0] =	wrdreg $0x60  }
0xae: {  	[dreg:$0x2] =	wrdreg s24  }
0xaf: {  	[dreg:$0x3] =	wrdreg s2  }
0xb0: {  	[dreg:$0x4] =	wrdreg $0x9  }
0xb1: {  	_ =	task.clear_ibuf [dreg:s7], $0x5FFFF;
	_ =	strace $0x90000046  }
0xb2: {  	s29 =	simm.s32 $0x9;
	_ =	strace $0x80000048  }
0xb3: {  	_ =	swait.ge [sflag:s29], $0x1  }
0xb4: {  	[sflag:s29] =	ssyncadd.s32 $0xFFFFFFFF  }
0xb5: {  	_ =	strace $0x90000048  }
0xb6: {  	_ =	sfence  }
0xb7: {  	s30 =	sld [smem:$0x0];
	_ =	sdelay $0x2  }
0xb8: {  	s31 =	sshll.u32 s1, $0xD;
	s1 =	sshrl.u32 s1, $0x2  }
0xb9: {  	s3 =	sand.u32 $0x4000, s31;
	s1 =	sadd.s32 s1, s30  }
0xba: {  	s0 =	sor.u32 s3, s0;
	s1 =	sshll.u32 s1, $0x11  }
0xbb: {  	s0 =	sor.u32 s1, s0  }
0xbc: {  	s0 =	sadd.s32 $0x8F2B, s0  }
0xbd: {  	[sflag:s0] =	ssyncadd.remote.s32 $0x1  }
0xbe: {  	_ =	sfence.sel $0xFFFF  }
0xbf: {  	[dreg:$0x0] =	wrdreg $0xFFFFFFFF;
	(pc) =	sbr.abs _section_cstart, $3  }
0xc0: {  	[dreg:$0x1] =	wrdreg $0xFFFFFFFF  }
0xc1: {  	_ =	task.clear_ibuf [dreg:s7], $0x2FFFF;
	_ =	strace $0x9FFFFFFF  }
0xc2: {  	(tm) =	ssettm $0x7FFFFFFF  }
0xc3: {  	_ =	shalt  }
tec
execute0_lowered:
.L_overlay_start_1:
0x0: {  	(tag) =	ssettag $0x1  }
0x1: {  	s4 =	rddreg [dreg:$0x0]  }
0x2: {  	s2 =	rddreg [dreg:$0x1]  }
0x3: {  	s0 =	rddreg [dreg:$0x2];
	s3 =	simm.s32 $0x0;
	s5 =	srdreg.scid  }
0x4: {  	s1 =	stileid.u32;
	s9 =	simm.s32 $0x200;
	s10 =	simm.s32 $0x2200  }
0x5: {  	s11 =	simm.s32 $0x100;
	s12 =	simm.s32 $0x4200;
	s13 =	simm.s32 $0x180  }
0x6: {  	s14 =	simm.s32 $0x6200;
	s15 =	simm.s32 $0x1;
	s16 =	simm.s32 $0x8200  }
0x7: {  	[smem:$0x7FF] =	sst s3;
	s5 =	sand.u32 $0x1, s5;
	s6 =	sshll.u32 s1, $0x1  }
0x8: {  	s17 =	simm.s32 $0x0;
	_ =	strace $0x80000047;
	s6 =	sor.u32 s5, s6  }
0x9: {  	s5 =	ssub.s32 $0x2, s5;
	s7 =	sshll.u32 s6, $0x6;
	s6 =	sshll.u32 s6, $0x3  }
0xa: {  	s31 =	sshrl.u32 s5, $0x1;
	s7 =	sadd.s32 s7, s4;
	s6 =	sadd.s32 s6, s4  }
0xb: {  	s8 =	ssub.s32 s5, s31;
	s4 =	sadd.s32 $0x42200, s7;
	s5 =	sadd.s32 $0x42A00, s6  }
0xc: {  	s6 =	smax.u32 s8, $0x1;
	s7 =	simm.s32 $0x2;
	s8 =	simm.s32 $0x80  }
.LBB2_1:
0xd: {  	[tilespmem:s3], [sflag:$0x2] =	stream.linear.gather [hbm4b:s4+s3], $0x200, $0x38;
	[tilespmem:$0x8240] =	vst v63  }
0xe: {  	_ =	swait.ge [sflag:s7], $0x200  }
0xf: {  	[sflag:s7] =	ssyncset.done $0x0  }
0x10: {  	[sflag:s7] =	ssyncadd.s32 $0xFFFFFE00  }
0x11: {  	[tilespmem:s9], [sflag:$0x1] =	stream.indirect.gather [hbm4b:s2+s8], $0x40, s3, s8, $0xb8;
	[tilespmem:$0x8240] =	vst v63  }
0x12: {  	_ = 	snop  }
0x13: {  	[tilespmem:s10], [sflag:$0x1] =	stream.indirect.gather [hbm4b:s2+s8], $0x40, s8, s8, $0xb8;
	[tilespmem:$0x8240] =	vst v63  }
0x14: {  	_ = 	snop  }
0x15: {  	[tilespmem:s12], [sflag:$0x1] =	stream.indirect.gather [hbm4b:s2+s8], $0x40, s11, s8, $0xb8;
	[tilespmem:$0x8240] =	vst v63  }
0x16: {  	_ = 	snop  }
0x17: {  	[tilespmem:s14], [sflag:$0x1] =	stream.indirect.gather [hbm4b:s2+s8], $0x40, s13, s8, $0xb8;
	[tilespmem:$0x8240] =	vst v63  }
0x18: {  	_ =	swait.ge [sflag:s15], $0x2000  }
0x19: {  	[sflag:s15] =	ssyncset.done $0x0  }
0x1a: {  	s20 =	simm.s32 $0x0;
	[sflag:s15] =	ssyncadd.s32 $0xFFFFE000  }
0x1b: {  	v0 =	vld [tilespmem:s20+$0x270]  }
0x1c: {  	v2 =	vld [tilespmem:s20+$0x200]  }
0x1d: {  	v4 =	vld [tilespmem:s20+$0x210]  }
0x1e: {  	v5 =	vld [tilespmem:s20+$0x220]  }
0x1f: {  	v8 =	vld [tilespmem:s20+$0x230]  }
0x20: {  	v3 =	vimm.f32 $0.0e+00;
	v9 =	vimm.f32 $0.0e+00;
	v6 =	vld [tilespmem:s20+$0x240]  }
0x21: {  	v10 =	vimm.f32 $0.0e+00;
	v7 =	vimm.f32 $0.0e+00;
	v11 =	vld [tilespmem:s20+$0x250];
	v1 =	vadd.f32 v0, v3  }
0x22: {  	s18 =	simm.s32 $0x80;
	s19 =	simm.s32 $0x400;
	v12 =	vld [tilespmem:s20+$0x260];
	v0 =	vadd.f32 v2, v3;
	v2 =	vadd.f32 v4, v3;
	v4 =	vimm.f32 $0.0e+00  }
.LBB2_2:
0x23: {  	p0 =	sne.s32 s19, $0x7E00;
	v13 =	vld [tilespmem:s18+$0x270];
	v3 =	vadd.f32 v5, v3  }
0x24: {  	v14 =	vld [tilespmem:s18+$0x200];
	v4 =	vadd.f32 v8, v4  }
0x25: {  	v15 =	vld [tilespmem:s18+$0x210];
	v9 =	vadd.f32 v6, v9  }
.Ltmp0:
0x26: {  	v5 =	vld [tilespmem:s18+$0x220];
	v10 =	vadd.f32 v11, v10;
	(pc) =	sbr.rel @p0 .LBB2_2-.Ltmp0, $4  }
0x27: {  	v8 =	vld [tilespmem:s18+$0x230];
	v7 =	vadd.f32 v12, v7  }
0x28: {  	v6 =	vld [tilespmem:s18+$0x240];
	v1 =	vadd.f32 v13, v1  }
0x29: {  	v0 =	vadd.f32 v14, v0;
	v11 =	vld [tilespmem:s18+$0x250]  }
0x2a: {  	v2 =	vadd.f32 v15, v2;
	v12 =	vld [tilespmem:s18+$0x260];
	s18 =	sshra.s32 s19, $0x2;
	s19 =	sadd.s32 $0x200, s19  }
0x2b: {  	v13 =	vld [tilespmem:s18+$0x270]  }
0x2c: {  	v14 =	vld [tilespmem:s18+$0x200]  }
0x2d: {  	v15 =	vld [tilespmem:s18+$0x210]  }
0x2e: {  	v16 =	vld [tilespmem:s18+$0x220]  }
0x2f: {  	v17 =	vld [tilespmem:s18+$0x230]  }
0x30: {  	v18 =	vld [tilespmem:s18+$0x240]  }
0x31: {  	v19 =	vld [tilespmem:s18+$0x250]  }
0x32: {  	v20 =	vld [tilespmem:s18+$0x260];
	_ =	swait.ge [sflag:s15], $0x2000  }
0x33: {  	[sflag:s15] =	ssyncset.done $0x0  }
0x34: {  	s20 =	simm.s32 $0x0;
	[sflag:s15] =	ssyncadd.s32 $0xFFFFE000  }
0x35: {  	v3 =	vadd.f32 v5, v3;
	v4 =	vadd.f32 v8, v4;
	v5 =	vld [tilespmem:s20+$0x2270]  }
0x36: {  	v6 =	vadd.f32 v6, v9;
	v10 =	vadd.f32 v11, v10;
	v21 =	vld [tilespmem:s20+$0x2200]  }
0x37: {  	v7 =	vadd.f32 v12, v7;
	v12 =	vld [tilespmem:s20+$0x2210];
	v11 =	vadd.f32 v13, v1  }
0x38: {  	v8 =	vld [tilespmem:s20+$0x2220];
	v13 =	vadd.f32 v14, v0;
	v14 =	vadd.f32 v15, v2  }
0x39: {  	v9 =	vld [tilespmem:s20+$0x2230];
	v0 =	vadd.f32 v16, v3;
	v1 =	vadd.f32 v17, v4  }
0x3a: {  	v2 =	vadd.f32 v18, v6;
	v3 =	vadd.f32 v19, v10;
	v10 =	vld [tilespmem:s20+$0x2240]  }
0x3b: {  	v4 =	vadd.f32 v20, v7;
	v5 =	vadd.f32 v5, v11;
	v11 =	vld [tilespmem:s20+$0x2250]  }
0x3c: {  	s18 =	simm.s32 $0x80;
	s19 =	simm.s32 $0x400;
	v6 =	vadd.f32 v21, v13;
	v7 =	vadd.f32 v12, v14;
	v12 =	vld [tilespmem:s20+$0x2260]  }
.LBB2_4:
0x3d: {  	p0 =	sne.s32 s19, $0x7E00;
	v13 =	vld [tilespmem:s18+$0x2270];
	v0 =	vadd.f32 v8, v0  }
0x3e: {  	v14 =	vld [tilespmem:s18+$0x2200];
	v1 =	vadd.f32 v9, v1  }
0x3f: {  	v15 =	vld [tilespmem:s18+$0x2210];
	v2 =	vadd.f32 v10, v2  }
.Ltmp1:
0x40: {  	v8 =	vld [tilespmem:s18+$0x2220];
	v3 =	vadd.f32 v11, v3;
	(pc) =	sbr.rel @p0 .LBB2_4-.Ltmp1, $4  }
0x41: {  	v9 =	vld [tilespmem:s18+$0x2230];
	v4 =	vadd.f32 v12, v4  }
0x42: {  	v10 =	vld [tilespmem:s18+$0x2240];
	v5 =	vadd.f32 v13, v5  }
0x43: {  	v6 =	vadd.f32 v14, v6;
	v11 =	vld [tilespmem:s18+$0x2250]  }
0x44: {  	v7 =	vadd.f32 v15, v7;
	v12 =	vld [tilespmem:s18+$0x2260];
	s18 =	sshra.s32 s19, $0x2;
	s19 =	sadd.s32 $0x200, s19  }
0x45: {  	v13 =	vld [tilespmem:s18+$0x2270]  }
0x46: {  	v14 =	vld [tilespmem:s18+$0x2200]  }
0x47: {  	v15 =	vld [tilespmem:s18+$0x2210]  }
0x48: {  	v16 =	vld [tilespmem:s18+$0x2220]  }
0x49: {  	v17 =	vld [tilespmem:s18+$0x2230]  }
0x4a: {  	v18 =	vld [tilespmem:s18+$0x2240]  }
0x4b: {  	v19 =	vld [tilespmem:s18+$0x2250]  }
0x4c: {  	v20 =	vld [tilespmem:s18+$0x2260];
	_ =	swait.ge [sflag:s15], $0x2000  }
0x4d: {  	[sflag:s15] =	ssyncset.done $0x0  }
0x4e: {  	s20 =	simm.s32 $0x0;
	[sflag:s15] =	ssyncadd.s32 $0xFFFFE000  }
0x4f: {  	v0 =	vadd.f32 v8, v0;
	v1 =	vadd.f32 v9, v1;
	v21 =	vld [tilespmem:s20+$0x4270]  }
0x50: {  	v2 =	vadd.f32 v10, v2;
	v3 =	vadd.f32 v11, v3;
	v22 =	vld [tilespmem:s20+$0x4200]  }
0x51: {  	v4 =	vadd.f32 v12, v4;
	v12 =	vld [tilespmem:s20+$0x4210];
	v5 =	vadd.f32 v13, v5  }
0x52: {  	v8 =	vld [tilespmem:s20+$0x4220];
	v6 =	vadd.f32 v14, v6;
	v7 =	vadd.f32 v15, v7  }
0x53: {  	v9 =	vld [tilespmem:s20+$0x4230];
	v0 =	vadd.f32 v16, v0;
	v1 =	vadd.f32 v17, v1  }
0x54: {  	v10 =	vld [tilespmem:s20+$0x4240];
	v2 =	vadd.f32 v18, v2;
	v3 =	vadd.f32 v19, v3  }
0x55: {  	v11 =	vld [tilespmem:s20+$0x4250];
	v4 =	vadd.f32 v20, v4;
	v5 =	vadd.f32 v21, v5  }
0x56: {  	s18 =	simm.s32 $0x80;
	s19 =	simm.s32 $0x400;
	v6 =	vadd.f32 v22, v6;
	v7 =	vadd.f32 v12, v7;
	v12 =	vld [tilespmem:s20+$0x4260]  }
.LBB2_6:
0x57: {  	p0 =	sne.s32 s19, $0x7E00;
	v13 =	vld [tilespmem:s18+$0x4270];
	v0 =	vadd.f32 v8, v0  }
0x58: {  	v14 =	vld [tilespmem:s18+$0x4200];
	v1 =	vadd.f32 v9, v1  }
0x59: {  	v15 =	vld [tilespmem:s18+$0x4210];
	v2 =	vadd.f32 v10, v2  }
.Ltmp2:
0x5a: {  	v8 =	vld [tilespmem:s18+$0x4220];
	v3 =	vadd.f32 v11, v3;
	(pc) =	sbr.rel @p0 .LBB2_6-.Ltmp2, $4  }
0x5b: {  	v9 =	vld [tilespmem:s18+$0x4230];
	v4 =	vadd.f32 v12, v4  }
0x5c: {  	v10 =	vld [tilespmem:s18+$0x4240];
	v5 =	vadd.f32 v13, v5  }
0x5d: {  	v6 =	vadd.f32 v14, v6;
	v11 =	vld [tilespmem:s18+$0x4250]  }
0x5e: {  	v7 =	vadd.f32 v15, v7;
	v12 =	vld [tilespmem:s18+$0x4260];
	s18 =	sshra.s32 s19, $0x2;
	s19 =	sadd.s32 $0x200, s19  }
0x5f: {  	v13 =	vld [tilespmem:s18+$0x4270]  }
0x60: {  	v14 =	vld [tilespmem:s18+$0x4200]  }
0x61: {  	v15 =	vld [tilespmem:s18+$0x4210]  }
0x62: {  	v16 =	vld [tilespmem:s18+$0x4220]  }
0x63: {  	v17 =	vld [tilespmem:s18+$0x4230]  }
0x64: {  	v18 =	vld [tilespmem:s18+$0x4240]  }
0x65: {  	v19 =	vld [tilespmem:s18+$0x4250]  }
0x66: {  	v20 =	vld [tilespmem:s18+$0x4260];
	_ =	swait.ge [sflag:s15], $0x2000  }
0x67: {  	[sflag:s15] =	ssyncset.done $0x0  }
0x68: {  	s20 =	simm.s32 $0x0;
	[sflag:s15] =	ssyncadd.s32 $0xFFFFE000  }
0x69: {  	v0 =	vadd.f32 v8, v0;
	v1 =	vadd.f32 v9, v1;
	v21 =	vld [tilespmem:s20+$0x6270]  }
0x6a: {  	v2 =	vadd.f32 v10, v2;
	v10 =	vadd.f32 v11, v3;
	v22 =	vld [tilespmem:s20+$0x6200]  }
0x6b: {  	v11 =	vadd.f32 v12, v4;
	v12 =	vadd.f32 v13, v5;
	v13 =	vld [tilespmem:s20+$0x6210]  }
0x6c: {  	v8 =	vld [tilespmem:s20+$0x6220];
	v6 =	vadd.f32 v14, v6;
	v7 =	vadd.f32 v15, v7  }
0x6d: {  	v9 =	vld [tilespmem:s20+$0x6230];
	v3 =	vadd.f32 v16, v0;
	v0 =	vadd.f32 v17, v1  }
0x6e: {  	v4 =	vadd.f32 v18, v2;
	v1 =	vadd.f32 v19, v10;
	v10 =	vld [tilespmem:s20+$0x6240]  }
0x6f: {  	v5 =	vadd.f32 v20, v11;
	v11 =	vld [tilespmem:s20+$0x6250];
	v2 =	vadd.f32 v21, v12  }
0x70: {  	s18 =	simm.s32 $0x80;
	s19 =	simm.s32 $0x400;
	v6 =	vadd.f32 v22, v6;
	v12 =	vld [tilespmem:s20+$0x6260];
	v7 =	vadd.f32 v13, v7  }
.LBB2_8:
0x71: {  	p0 =	sne.s32 s19, $0x7E00;
	v13 =	vld [tilespmem:s18+$0x6270];
	v3 =	vadd.f32 v8, v3  }
0x72: {  	v14 =	vld [tilespmem:s18+$0x6200];
	v0 =	vadd.f32 v9, v0  }
0x73: {  	v15 =	vld [tilespmem:s18+$0x6210];
	v4 =	vadd.f32 v10, v4  }
.Ltmp3:
0x74: {  	v8 =	vld [tilespmem:s18+$0x6220];
	v1 =	vadd.f32 v11, v1;
	(pc) =	sbr.rel @p0 .LBB2_8-.Ltmp3, $4  }
0x75: {  	v9 =	vld [tilespmem:s18+$0x6230];
	v5 =	vadd.f32 v12, v5  }
0x76: {  	v10 =	vld [tilespmem:s18+$0x6240];
	v2 =	vadd.f32 v13, v2  }
0x77: {  	v6 =	vadd.f32 v14, v6;
	v11 =	vld [tilespmem:s18+$0x6250]  }
0x78: {  	v7 =	vadd.f32 v15, v7;
	v12 =	vld [tilespmem:s18+$0x6260];
	s18 =	sshra.s32 s19, $0x2;
	s19 =	sadd.s32 $0x200, s19  }
0x79: {  	v13 =	vld [tilespmem:s18+$0x6270]  }
0x7a: {  	v14 =	vld [tilespmem:s18+$0x6200]  }
0x7b: {  	v15 =	vld [tilespmem:s18+$0x6210]  }
0x7c: {  	v16 =	vld [tilespmem:s18+$0x6220]  }
0x7d: {  	v17 =	vld [tilespmem:s18+$0x6240]  }
0x7e: {  	v3 =	vadd.f32 v8, v3;
	v61 =	vld [tilespmem:s18+$0x6250]  }
0x7f: {  	v63 =	vld [tilespmem:s18+$0x6230];
	v0 =	vadd.f32 v9, v0;
	v4 =	vadd.f32 v10, v4  }
0x80: {  	v62 =	vld [tilespmem:s18+$0x6260];
	v1 =	vadd.f32 v11, v1;
	v5 =	vadd.f32 v12, v5  }
0x81: {  	v2 =	vadd.f32 v13, v2;
	v6 =	vadd.f32 v14, v6  }
0x82: {  	v7 =	vadd.f32 v15, v7;
	v4 =	vadd.f32 v17, v4  }
0x83: {  	v3 =	vadd.f32 v16, v3;
	v1 =	vadd.f32 v61, v1  }
0x84: {  	v0 =	vadd.f32 v63, v0;
	v4 =	vadd.f32 v4, v6  }
0x85: {  	v5 =	vadd.f32 v62, v5;
	v1 =	vadd.f32 v1, v7  }
0x86: {  	v0 =	vadd.f32 v2, v0;
	[tilespmem:$0x8200] =	vst v4  }
0x87: {  	s17 =	sadd.s32 $0x1, s17;
	v3 =	vadd.f32 v5, v3;
	[tilespmem:$0x8210] =	vst v1  }
0x88: {  	p0 =	sne.s32 s17, s6;
	[tilespmem:$0x8230] =	vst v0  }
.Ltmp4:
0x89: {  	[tilespmem:$0x8220] =	vst v3;
	(pc) =	sbr.rel @p0 .LBB2_1-.Ltmp4, $4  }
0x8a: {  	[hbm4b:s5+s3] =	stream.linear.scatter [tilespmem:s16], [sflag:$0x2], $0x40, $0x38;
	[tilespmem:$0x8240] =	vst v63  }
0x8b: {  	_ =	swait.ge [sflag:s7], $0x40  }
0x8c: {  	[sflag:s7] =	ssyncset.done $0x0  }
0x8d: {  	[sflag:s7] =	ssyncadd.s32 $0xFFFFFFC0  }
0x8e: {  	_ =	sfence.sel $0x180000  }
0x8f: {  	[bflag:$0x0] =	sbarrier.arrive $0xFFFF  }
0x90: {  	p0 =	sne.s32 s1, $0x0;
	_ =	strace $0x90000047  }
0x91: {  	s0 =	sadd.s32 @!p0 $0x100000, s0;
	[bflag:$0x2] =	sbarrier.arrive $0xFFFF  }
0x92: {  	[sflag:s0] =	ssyncadd.tile.s32 @!p0 $0x1;
	_ =	shalt  }
.Lfunc_end2:
_tile_overlayer_lowered:
.L_overlay_start_2:
0x93: {  	(tag) =	ssettag $0x2  }
0x94: {  	s0 =	rddreg [dreg:$0x0];
	s2 =	stileid.u32  }
0x95: {  	s1 =	rddreg [dreg:$0x1];
	p0 =	sne.s32 s2, $0x0  }
0x96: {  	s3 =	rddreg [dreg:$0x2];
	[bflag:$0x3] =	sbarrier.arrive $0xFFFF;
	s2 =	simm.s32 @!p0 $0x1C02  }
0x97: {  	[timem:s3], [sflag:s2] =	dma.local @!p0 [hbm:s0], s1  }
0x98: {  	s0 =	simm.s32 @!p0 $0x2  }
0x99: {  	_ =	swait.ge @!p0 [sflag:s0], s1  }
0x9a: {  	s1 =	ssub.s32 @!p0 $0x0, s1;
	[sflag:s0] =	ssyncset.done @!p0 $0x0  }
0x9b: {  	[sflag:s0] =	ssyncadd.s32 @!p0 s1  }
0x9c: {  	[bflag:$0x3] =	sbarrier.arrive $0xFFFF  }
0x9d: {  	_ =	shalt  }

</sc_bundles>
